<compile_context>
chip_gen: v7x
topology: tpu7x:2x2x1
jax: 0.10.2.dev20260603
libtpu: 0.0.44.dev20260713+nightly
codegen_flags: <defaults>
</compile_context>

<pallas_src>
import functools

import jax
import jax.numpy as jnp
from jax import lax
from jax.experimental import pallas as pl
from jax.experimental.pallas import tpu as pltpu
from jax.experimental.pallas import tpu_sc as plsc

_E = 8
_D = 1024
_H = 1024
_RHO = 0.5
_N = 2048
_TG = 256
_NTILE = 24
_P = _NTILE * _TG
_ZP = _P - 1


def _router_kernel(x_ref, gwt_ref, bias_ref, vnull_ref,
                   meta_ref, cnt_ref, aux_ref, xb_ref, a1_ref, a2_ref, cw_ref):
    x = x_ref[...]
    xb_ref[...] = x.astype(jnp.bfloat16)
    gwt = gwt_ref[...]
    lfull = jnp.dot(x, gwt, preferred_element_type=jnp.float32)
    l = lfull[:, :_E] + bias_ref[...]
    v = vnull_ref[0, 0]

    idx = lax.broadcasted_iota(jnp.int32, (_N, _E), 1)
    l1 = jnp.max(l, axis=-1, keepdims=True)
    i1 = jnp.min(jnp.where(l == l1, idx, _E), axis=-1, keepdims=True)
    oh1 = idx == i1
    s1_real = l1 >= v
    lm = jnp.where(oh1, -jnp.inf, l)
    l2 = jnp.max(lm, axis=-1, keepdims=True)
    i2 = jnp.min(jnp.where(lm == l2, idx, _E), axis=-1, keepdims=True)
    oh2 = idx == i2
    s2_real = s1_real & (l2 >= v)

    m = jnp.maximum(l1, v)
    el = jnp.exp(l - m)
    ev = jnp.exp(v - m)
    z = jnp.sum(el, axis=-1, keepdims=True) + 8.0 * ev
    p = el / z
    w1 = jnp.where(s1_real, jnp.sum(jnp.where(oh1, p, 0.0), axis=-1, keepdims=True), 0.0)
    w2 = jnp.where(s2_real, jnp.sum(jnp.where(oh2, p, 0.0), axis=-1, keepdims=True), 0.0)
    wsum = jnp.maximum(w1 + w2, 1e-6)
    w1n = w1 / wsum
    w2n = w2 / wsum

    elr = jnp.exp(l - l1)
    pr = elr / jnp.sum(elr, axis=-1, keepdims=True)
    p_real = jnp.mean(pr, axis=0)
    a1 = (oh1 & s1_real).astype(jnp.float32)
    a2 = (oh2 & s2_real).astype(jnp.float32)
    counts = jnp.sum(a1 + a2, axis=0)
    total = jnp.maximum(jnp.sum(counts), 1e-6)
    l_bal = _E * jnp.sum((counts / total) * p_real)
    n_real = jnp.sum(a1) + jnp.sum(a2)
    null_rate = (2.0 * _N - n_real) / (2.0 * _N)
    l_null = (null_rate - _RHO) ** 2
    lse = m + jnp.log(z)
    l_z = jnp.mean(lse * lse)
    aux = 0.02 * l_bal + 0.001 * l_z + 0.01 * l_null
    aux_ref[...] = jnp.reshape(aux, (1, 1))

    cnt1 = jnp.sum(a1, axis=0, keepdims=True)
    cnt2 = jnp.sum(a2, axis=0, keepdims=True)
    cnt = cnt1 + cnt2
    pc = jnp.ceil(cnt * (1.0 / _TG)) * _TG
    eidx = lax.broadcasted_iota(jnp.int32, (_E, _E), 0)
    ejdx = lax.broadcasted_iota(jnp.int32, (_E, _E), 1)
    strict_lt = (eidx < ejdx).astype(jnp.float32)
    base = jnp.dot(pc, strict_lt, preferred_element_type=jnp.float32)
    base2 = base + cnt1
    cnt_ref[...] = jnp.concatenate(
        [base, pc, jnp.zeros((1, 16), jnp.float32)], axis=1)

    a1_ref[...] = a1
    a2_ref[...] = a2
    cw_ref[...] = jnp.concatenate(
        [w1n, w2n, s1_real.astype(jnp.float32), s2_real.astype(jnp.float32),
         jnp.zeros((_N, 4), jnp.float32)], axis=1)

    ck = _N // 8
    rower = lax.broadcasted_iota(jnp.int32, (ck, ck), 0)
    coler = lax.broadcasted_iota(jnp.int32, (ck, ck), 1)
    tri = (coler < rower).astype(jnp.float32)

    def chunk(k, carry):
        carry1, carry2 = carry
        sl = pl.ds(k * ck, ck)
        a1c = a1_ref[sl, :]
        a2c = a2_ref[sl, :]
        cc = cw_ref[sl, :]
        w1c = cc[:, 0:1]
        w2c = cc[:, 1:2]
        s1c = cc[:, 2:3] > 0.5
        s2c = cc[:, 3:4] > 0.5
        r1c = jnp.dot(tri, a1c, preferred_element_type=jnp.float32) + carry1
        r2c = jnp.dot(tri, a2c, preferred_element_type=jnp.float32) + carry2
        d1 = jnp.sum(a1c * (base + r1c), axis=-1, keepdims=True)
        d2 = jnp.sum(a2c * (base2 + r2c), axis=-1, keepdims=True)
        d1c = jnp.where(s1c, d1, float(_ZP))
        d2c = jnp.where(s2c, d2, float(_ZP))
        dest1 = jnp.where(s1c, d1, -1.0)
        dest2 = jnp.where(s2c, d2, -1.0)
        meta_ref[sl, :] = jnp.concatenate(
            [w1c, w2c, d1c, d2c, dest1, dest2,
             jnp.zeros((ck, 2), jnp.float32)], axis=1)
        return (carry1 + jnp.sum(a1c, axis=0, keepdims=True),
                carry2 + jnp.sum(a2c, axis=0, keepdims=True))

    lax.fori_loop(0, 8, chunk, (jnp.zeros((1, _E), jnp.float32),
                                jnp.zeros((1, _E), jnp.float32)))


def _router(xf, gate_W, logit_bias, null_logit):
    return pl.pallas_call(
        _router_kernel,
        out_shape=(
            jax.ShapeDtypeStruct((_N, 8), jnp.float32),
            jax.ShapeDtypeStruct((1, 32), jnp.float32),
            jax.ShapeDtypeStruct((1, 1), jnp.float32),
            jax.ShapeDtypeStruct((_N, _D), jnp.bfloat16),
        ),
        scratch_shapes=[
            pltpu.VMEM((_N, _E), jnp.float32),
            pltpu.VMEM((_N, _E), jnp.float32),
            pltpu.VMEM((_N, 8), jnp.float32),
        ],
    )(xf, jnp.zeros((_D, 128), xf.dtype).at[:, :_E].set(gate_W.T),
      logit_bias.reshape(1, _E), null_logit.reshape(1, 1))


def _sc_scatter(destcat):
    mesh = plsc.VectorSubcoreMesh(core_axis_name="c", subcore_axis_name="s")

    @functools.partial(
        pl.kernel, mesh=mesh,
        compiler_params=pltpu.CompilerParams(needs_layout_passes=False),
        out_type=jax.ShapeDtypeStruct((_P,), jnp.int32),
        scratch_types=[
            pltpu.VMEM((2 * _N,), jnp.int32),
            pltpu.VMEM((_P,), jnp.int32),
        ],
    )
    def k(dest_hbm, src_out, dest_v, src_v):
        wid = lax.axis_index("s") * 2 + lax.axis_index("c")

        @pl.when(wid == 0)
        def _():
            pltpu.sync_copy(dest_hbm, dest_v)
            zi = jnp.zeros((16,), jnp.int32)

            def zbody(i, c):
                src_v[pl.ds(i * 16, 16)] = zi
                return c

            lax.fori_loop(0, _P // 16, zbody, 0)
            iot = lax.iota(jnp.int32, 16)

            def body(i, c):
                d = dest_v[pl.ds(i * 16, 16)]
                msk = d >= 0
                ds = jnp.where(msk, d, 0)
                tok = (i % 128) * 16 + iot
                plsc.store_scatter(src_v, [ds], tok, mask=msk)
                return c

            lax.fori_loop(0, (2 * _N) // 16, body, 0)
            pltpu.sync_copy(src_v, src_out)

    return k(destcat)


def _fused_kernel(emap_ref, tval_ref, srcr_ref, xb_ref, wg_ref, wu_ref,
                  wd_ref, meta_ref, sg_ref, su_ref, sd_ref, out_ref,
                  ys_ref, wgb_ref, wub_ref):
    j = pl.program_id(0)
    is_g = j < _NTILE
    fresh = jnp.logical_or(j == 0, emap_ref[j] != emap_ref[jnp.maximum(j - 1, 0)])

    @pl.when(jnp.logical_and(is_g, jnp.logical_and(tval_ref[j] == 1, fresh)))
    def _():
        wgb_ref[...] = wg_ref[0].astype(jnp.bfloat16)
        wub_ref[...] = wu_ref[0].astype(jnp.bfloat16)

    @pl.when(jnp.logical_and(is_g, tval_ref[j] == 1))
    def _():
        sv = srcr_ref[0, 0, :][:, None]
        tok = lax.broadcasted_iota(jnp.int32, (_TG, _N), 1)
        eq = (sv == tok).astype(jnp.bfloat16)
        xs = jnp.dot(eq, xb_ref[...],
                     preferred_element_type=jnp.float32).astype(jnp.bfloat16)
        g = jnp.dot(xs, wgb_ref[...], preferred_element_type=jnp.float32)
        u = jnp.dot(xs, wub_ref[...], preferred_element_type=jnp.float32)
        h = (g * jax.nn.sigmoid(g) * u).astype(jnp.bfloat16)
        y = jnp.dot(h, wd_ref[0].astype(jnp.bfloat16),
                    preferred_element_type=jnp.float32)
        ys_ref[pl.ds(j * _TG, _TG), :] = y.astype(jnp.bfloat16)

    @pl.when(jnp.logical_and(is_g, tval_ref[j] == 0))
    def _():
        ys_ref[pl.ds(j * _TG, _TG), :] = jnp.zeros((_TG, _D), jnp.bfloat16)

    @pl.when(jnp.logical_not(is_g))
    def _():
        xb = xb_ref[pl.ds((j - _NTILE) * 256, 256), :]
        dn = (((1,), (1,)), ((), ()))
        g = lax.dot_general(xb, sg_ref[...].astype(jnp.bfloat16), dn,
                            preferred_element_type=jnp.float32)
        u = lax.dot_general(xb, su_ref[...].astype(jnp.bfloat16), dn,
                            preferred_element_type=jnp.float32)
        h = (g * jax.nn.sigmoid(g) * u).astype(jnp.bfloat16)
        sh = lax.dot_general(h, sd_ref[...].astype(jnp.bfloat16), dn,
                             preferred_element_type=jnp.float32)

        mt = meta_ref[...]
        posr = lax.broadcasted_iota(jnp.int32, (256, _P), 1)
        di1 = mt[:, 2:3].astype(jnp.int32)
        di2 = mt[:, 3:4].astype(jnp.int32)
        cmb = (jnp.where(di1 == posr, mt[:, 0:1], 0.0)
               + jnp.where(di2 == posr, mt[:, 1:2], 0.0)).astype(jnp.bfloat16)
        moe = jnp.dot(cmb, ys_ref[...], preferred_element_type=jnp.float32)
        out_ref[...] = sh + moe


def _fused(xb, srcr, W_gate, W_up, W_down, meta, sg_W, su_W, sd_W, emap, tval):
    nt2 = _N // 256
    return pl.pallas_call(
        _fused_kernel,
        grid_spec=pltpu.PrefetchScalarGridSpec(
            num_scalar_prefetch=2,
            grid=(_NTILE + nt2,),
            in_specs=[
                pl.BlockSpec((1, 1, _TG),
                             lambda j, em, tv: (jnp.minimum(j, _NTILE - 1), 0, 0)),
                pl.BlockSpec((_N, _D), lambda j, em, tv: (0, 0)),
                pl.BlockSpec((1, _D, _H), lambda j, em, tv: (em[j], 0, 0)),
                pl.BlockSpec((1, _D, _H), lambda j, em, tv: (em[j], 0, 0)),
                pl.BlockSpec((1, _H, _D), lambda j, em, tv: (em[j], 0, 0)),
                pl.BlockSpec((256, 8),
                             lambda j, em, tv: (jnp.maximum(j - _NTILE, 0), 0)),
                pl.BlockSpec((_H, _D), lambda j, em, tv: (0, 0)),
                pl.BlockSpec((_H, _D), lambda j, em, tv: (0, 0)),
                pl.BlockSpec((_D, _H), lambda j, em, tv: (0, 0)),
            ],
            out_specs=pl.BlockSpec((256, _D),
                                   lambda j, em, tv: (jnp.maximum(j - _NTILE, 0), 0)),
            scratch_shapes=[
                pltpu.VMEM((_P, _D), jnp.bfloat16),
                pltpu.VMEM((_D, _H), jnp.bfloat16),
                pltpu.VMEM((_D, _H), jnp.bfloat16),
            ],
        ),
        out_shape=jax.ShapeDtypeStruct((_N, _D), jnp.float32),
        compiler_params=pltpu.CompilerParams(
            dimension_semantics=("arbitrary",),
            vmem_limit_bytes=100 * 1024 * 1024,
            allow_input_fusion=[True] * 11,
        ),
    )(emap, tval, srcr, xb, W_gate, W_up, W_down, meta, sg_W, su_W, sd_W)


def kernel(x, gate_W, logit_bias, null_logit, W_gate, W_up, W_down, sg_W, su_W, sd_W):
    b, t, d = x.shape
    xf = x.reshape(_N, _D)

    meta, cnts, aux, xb = _router(xf, gate_W, logit_bias, null_logit)

    base = cnts[0, :_E]
    pc = cnts[0, _E:2 * _E]
    ends = base + pc
    jpos = jnp.arange(_NTILE, dtype=jnp.float32) * _TG
    emap = jnp.minimum(
        jnp.sum((jpos[:, None] >= ends[None, :]).astype(jnp.int32), axis=1),
        _E - 1).astype(jnp.int32)
    tval = (jpos < jnp.sum(pc)).astype(jnp.int32)

    destcat = jnp.concatenate([meta[:, 4], meta[:, 5]]).astype(jnp.int32)

    src = _sc_scatter(destcat)

    nt2 = _N // 256
    emap2 = jnp.concatenate([emap, jnp.full((nt2,), _E - 1, jnp.int32)])
    tval2 = jnp.concatenate([tval, jnp.zeros((nt2,), jnp.int32)])
    out = _fused(xb, src.reshape(_NTILE, 1, _TG), W_gate, W_up, W_down,
                 meta, sg_W, su_W, sd_W, emap2, tval2)

    return out.reshape(b, t, d), aux[0, 0]

# --- scband reference (transcript-rebuilt; emitter-appended) ---
"""Pipeline reference for scband-mo-effn-25640954757706 (READ-ONLY COPY).

The authoritative reference and input builder live on the scoring server;
editing this copy changes nothing except your own understanding.
"""

import jax, jax.numpy as jnp
import numpy as np

E = 8
TOPK = 2
D = 1024
H = 1024
NUM_NULL = 8  # int(E * (1-0.5)/0.5)
RHO = 0.5
B, T = 1, 2048


def setup_inputs(seed: int = 0) -> dict:
    key = jax.random.key(seed)
    ks = jax.random.split(key, 10)
    s = 0.02
    return {
        "x": jax.random.normal(ks[0], (B, T, D), dtype=jnp.float32),
        "gate_W": jax.random.normal(ks[1], (E, D), dtype=jnp.float32) * s,
        "logit_bias": jnp.zeros((E,), dtype=jnp.float32),
        "null_logit": jnp.zeros((), dtype=jnp.float32),
        "W_gate": jax.random.normal(ks[2], (E, D, H), dtype=jnp.float32) * s,
        "W_up": jax.random.normal(ks[3], (E, D, H), dtype=jnp.float32) * s,
        "W_down": jax.random.normal(ks[4], (E, H, D), dtype=jnp.float32) * s,
        "sg_W": jax.random.normal(ks[5], (H, D), dtype=jnp.float32) * s,
        "su_W": jax.random.normal(ks[6], (H, D), dtype=jnp.float32) * s,
        "sd_W": jax.random.normal(ks[7], (D, H), dtype=jnp.float32) * s,
    }


def reference(x, gate_W, logit_bias, null_logit, W_gate, W_up, W_down, sg_W, su_W, sd_W):
    Bc, Tc, Dc = x.shape
    # ---- MoEGate ----
    real_logits = jnp.einsum('btd,ed->bte', x, gate_W) + logit_bias
    null_logits = jnp.broadcast_to(null_logit, (Bc, Tc, NUM_NULL))
    logits = jnp.concatenate([real_logits, null_logits], axis=-1)
    probs = jax.nn.softmax(logits, axis=-1)
    topk_weight, topk_idx = jax.lax.top_k(probs, TOPK)
    is_null = topk_idx >= E
    real_weights = topk_weight * (~is_null).astype(jnp.float32)
    wsum = jnp.clip(jnp.sum(real_weights, axis=-1, keepdims=True), 1e-6, None)
    topk_weight = real_weights / wsum
    # aux loss
    probs_real = jax.nn.softmax(logits[..., :E], axis=-1)
    P_real = probs_real.mean(axis=(0, 1))
    idx_flat = topk_idx.reshape(-1)
    is_null_flat = idx_flat >= E
    idx_real = jnp.where(is_null_flat, 0, idx_flat)
    counts_real = jnp.bincount(idx_real, length=E).astype(jnp.float32)
    counts_real = counts_real.at[0].add(-is_null_flat.sum().astype(jnp.float32))
    total_real = jnp.clip(counts_real.sum(), 1e-6, None)
    f_real = counts_real / total_real
    L_bal = E * jnp.sum(f_real * P_real)
    null_rate = is_null.astype(jnp.float32).mean()
    L_null = (null_rate - RHO) ** 2
    lse = jax.nn.logsumexp(logits, axis=-1)
    L_z = (lse ** 2).mean()
    aux_loss = 0.02 * L_bal + 0.001 * L_z + 0.01 * L_null
    # ---- Expert FFN (SwiGLU), dense-combine equivalent of sorted bmm dispatch ----
    N = Bc * Tc
    xf = x.reshape(N, Dc)
    idx_safe = jnp.where(is_null, 0, topk_idx).reshape(N, TOPK)
    w = topk_weight.reshape(N, TOPK)  # null slots already zero-weight
    rows = jnp.broadcast_to(jnp.arange(N)[:, None], (N, TOPK))
    combine = jnp.zeros((N, E), dtype=jnp.float32).at[rows, idx_safe].add(w)
    gate_h = jnp.einsum('nd,edh->neh', xf, W_gate)
    up_h = jnp.einsum('nd,edh->neh', xf, W_up)
    h = jax.nn.silu(gate_h) * up_h
    y = jnp.einsum('neh,ehd->ned', h, W_down)
    moe_out = jnp.einsum('ne,ned->nd', combine, y)
    # ---- shared expert ----
    shared = (jax.nn.silu(xf @ sg_W.T) * (xf @ su_W.T)) @ sd_W.T
    out = (moe_out + shared).reshape(Bc, Tc, Dc)
    return out, aux_loss

if __name__ == "__main__":
    import jax
    _d = setup_inputs()
    print(jax.jit(kernel)(*tuple(_d.values())))

</pallas_src>

<mosaic_0001>
#map = affine_map<(d0, d1) -> (0)>
module attributes {stable_mosaic.version = 14 : i64} {
  func.func @k(%arg0: i32, %arg1: i32, %arg2: memref<4096xi32, #tpu.memory_space<hbm>>, %arg3: memref<6144xi32, #tpu.memory_space<hbm>>, %arg4: memref<4096xi32, #tpu.memory_space<vmem>>, %arg5: memref<6144xi32, #tpu.memory_space<vmem>>) attributes {dimension_semantics = [#tpu.dimension_semantics<core_parallel>, #tpu.dimension_semantics<subcore_parallel>], iteration_bounds = array<i64: 2, 16>, scalar_prefetch = 0 : i64, scratch_operands = 2 : i64, tpu.core_type = #tpu.core_type<sc_vector_subcore>, window_params = [{transform_indices = #map}, {transform_indices = #map}]} {
    %mul3A = arith.constant 2 : i32
    %mul3A_0 = arith.muli %arg1, %mul3A : i32
    %add3A = arith.addi %mul3A_0, %arg0 : i32
    %eq3A = arith.constant 0 : i32
    %eq3A_1 = arith.cmpi eq, %add3A, %eq3A : i32
    %convert_element_type3A = arith.extui %eq3A_1 : i1 to i32
    %cond3A = arith.constant 0 : i32
    %cond3A_2 = arith.cmpi ne, %convert_element_type3A, %cond3A : i32
    scf.if %cond3A_2 {
      "tpu.region"() ({
        %run_scoped3A = tpu.sem_alloc : memref<!tpu.dma_semaphore, #tpu.memory_space<semaphore_mem>>
        tpu.enqueue_dma source(%arg2 : memref<4096xi32, #tpu.memory_space<hbm>>) target(%arg4 : memref<4096xi32, #tpu.memory_space<vmem>>) target_semaphore(%run_scoped3A : memref<!tpu.dma_semaphore, #tpu.memory_space<semaphore_mem>>)
        tpu.wait_dma2 semaphore(%run_scoped3A : memref<!tpu.dma_semaphore, #tpu.memory_space<semaphore_mem>>) src(%arg2 : memref<4096xi32, #tpu.memory_space<hbm>>) dst(%arg4 : memref<4096xi32, #tpu.memory_space<vmem>>)
        tpu.yield
      }) : () -> ()
      %broadcast_in_dim3A = arith.constant 0 : i32
      %broadcast_in_dim3A_3 = vector.broadcast %broadcast_in_dim3A : i32 to vector<16xi32>
      %scan3A = arith.constant 0 : i32
      %scan3A_4 = arith.constant 0 : i32
      %scan3A_5 = arith.constant 384 : i32
      %scan3A_6 = arith.addi %scan3A_4, %scan3A_5 : i32
      %scan3A_7 = arith.constant 1 : i32
      scf.for %scan3A_15 = %scan3A_4 to %scan3A_6 step %scan3A_7  : i32 {
        %mul3A_16 = arith.constant 16 : i32
        %mul3A_17 = arith.muli %scan3A_15, %mul3A_16 : i32
        %swap3A = arith.index_cast %mul3A_17 : i32 to index
        %swap3A_18 = tpu.vector_load %arg5[%swap3A] {strides = array<i32>} : memref<6144xi32, #tpu.memory_space<vmem>>, vector<16xi32>,
        tpu.vector_store %arg5[%swap3A], %broadcast_in_dim3A_3 {strides = array<i32>} : memref<6144xi32, #tpu.memory_space<vmem>>, vector<16xi32>,
      }
      %scan3A_8 = arith.constant 384 : i32
      %iota3A = tpu.iota {dimensions = array<i32: 0>} : vector<16xi32>
      %scan3A_9 = arith.constant 0 : i32
      %scan3A_10 = arith.constant 0 : i32
      %scan3A_11 = arith.constant 256 : i32
      %scan3A_12 = arith.addi %scan3A_10, %scan3A_11 : i32
      %scan3A_13 = arith.constant 1 : i32
      scf.for %scan3A_15 = %scan3A_10 to %scan3A_12 step %scan3A_13  : i32 {
        %mul3A_16 = arith.constant 16 : i32
        %mul3A_17 = arith.muli %scan3A_15, %mul3A_16 : i32
        %get3A = arith.index_cast %mul3A_17 : i32 to index
        %get3A_18 = tpu.vector_load %arg4[%get3A] {strides = array<i32>} : memref<4096xi32, #tpu.memory_space<vmem>>, vector<16xi32>,
        %ge3A = arith.constant 0 : i32
        %ge3A_19 = vector.broadcast %ge3A : i32 to vector<16xi32>
        %ge3A_20 = arith.cmpi sge, %get3A_18, %ge3A_19 : vector<16xi32>
        %jit3A = arith.constant 0 : i32
        %broadcast_in_dim3A_21 = vector.broadcast %jit3A : i32 to vector<16xi32>
        %select_n3A = arith.select %ge3A_20, %get3A_18, %broadcast_in_dim3A_21 : vector<16xi1>, vector<16xi32>
        %jit3A_22 = arith.constant 128 : i32
        %eq3A_23 = arith.constant 0 : i32
        %eq3A_24 = arith.cmpi eq, %jit3A_22, %eq3A_23 : i32
        %jit3A_25 = arith.constant 1 : i32
        %select_n3A_26 = arith.select %eq3A_24, %jit3A_25, %jit3A_22 : i32
        %rem3A = arith.remsi %scan3A_15, %select_n3A_26 : i32
        %ne3A = arith.constant 0 : i32
        %ne3A_27 = arith.cmpi ne, %rem3A, %ne3A : i32
        %lt3A = arith.constant 0 : i32
        %lt3A_28 = arith.cmpi slt, %rem3A, %lt3A : i32
        %lt3A_29 = arith.constant 0 : i32
        %lt3A_30 = arith.cmpi slt, %select_n3A_26, %lt3A_29 : i32
        %ne3A_31 = arith.xori %lt3A_28, %lt3A_30 : i1
        %and3A = arith.andi %ne3A_31, %ne3A_27 : i1
        %add3A_32 = arith.addi %rem3A, %select_n3A_26 : i32
        %select_n3A_33 = arith.select %and3A, %add3A_32, %rem3A : i32
        %mul3A_34 = arith.constant 16 : i32
        %mul3A_35 = arith.muli %select_n3A_33, %mul3A_34 : i32
        %add3A_36 = vector.broadcast %mul3A_35 : i32 to vector<16xi32>
        %add3A_37 = arith.addi %add3A_36, %iota3A : vector<16xi32>
        tpu.vector_store_idx %arg5[%select_n3A], %add3A_37 masked %ge3A_20 : memref<6144xi32, #tpu.memory_space<vmem>>[vector<16xi32>], vector<16xi32>, vector<16xi1>
      }
      %scan3A_14 = arith.constant 256 : i32
      "tpu.region"() ({
        %run_scoped3A = tpu.sem_alloc : memref<!tpu.dma_semaphore, #tpu.memory_space<semaphore_mem>>
        tpu.enqueue_dma source(%arg5 : memref<6144xi32, #tpu.memory_space<vmem>>) target(%arg3 : memref<6144xi32, #tpu.memory_space<hbm>>) target_semaphore(%run_scoped3A : memref<!tpu.dma_semaphore, #tpu.memory_space<semaphore_mem>>)
        tpu.wait_dma2 semaphore(%run_scoped3A : memref<!tpu.dma_semaphore, #tpu.memory_space<semaphore_mem>>) src(%arg5 : memref<6144xi32, #tpu.memory_space<vmem>>) dst(%arg3 : memref<6144xi32, #tpu.memory_space<hbm>>)
        tpu.yield
      }) : () -> ()
    } else {
    }
    return
  }
}

module attributes {stable_mosaic.version = 14 : i64} {
  func.func @_router_kernel(%arg0: memref<2048x1024xf32, #tpu.memory_space<vmem>>, %arg1: memref<1024x128xf32, #tpu.memory_space<vmem>>, %arg2: memref<1x8xf32, #tpu.memory_space<vmem>>, %arg3: memref<1x1xf32, #tpu.memory_space<vmem>>, %arg4: memref<2048x8xf32, #tpu.memory_space<vmem>>, %arg5: memref<1x32xf32, #tpu.memory_space<vmem>>, %arg6: memref<1x1xf32, #tpu.memory_space<vmem>>, %arg7: memref<2048x1024xbf16, #tpu.memory_space<vmem>>, %arg8: memref<2048x8xf32, #tpu.memory_space<vmem>>, %arg9: memref<2048x8xf32, #tpu.memory_space<vmem>>, %arg10: memref<2048x8xf32, #tpu.memory_space<vmem>>) attributes {dimension_semantics = [], scalar_prefetch = 0 : i64, scratch_operands = 3 : i64, tpu.core_type = #tpu.core_type<tc>} {
    %get3A = arith.constant 0 : index
    %get3A_0 = arith.constant 0 : index
    %get3A_1 = vector.load %arg0[%get3A, %get3A_0] : memref<2048x1024xf32, #tpu.memory_space<vmem>>, vector<2048x1024xf32>
    %convert_element_type3A = arith.truncf %get3A_1 : vector<2048x1024xf32> to vector<2048x1024xbf16>
    %swap3A = arith.constant 0 : index
    %swap3A_2 = arith.constant 0 : index
    %swap3A_3 = vector.load %arg7[%swap3A, %swap3A_2] : memref<2048x1024xbf16, #tpu.memory_space<vmem>>, vector<2048x1024xbf16>
    tpu.vector_store %arg7[%swap3A, %swap3A_2], %convert_element_type3A {strides = array<i32>} : memref<2048x1024xbf16, #tpu.memory_space<vmem>>, vector<2048x1024xbf16>,
    %get3A_4 = arith.constant 0 : index
    %get3A_5 = arith.constant 0 : index
    %get3A_6 = vector.load %arg1[%get3A_4, %get3A_5] : memref<1024x128xf32, #tpu.memory_space<vmem>>, vector<1024x128xf32>
    %dot_general3A = arith.constant dense<0.000000e+00> : vector<2048x128xf32>
    %dot_general3A_7 = tpu.matmul %get3A_1, %get3A_6, %dot_general3A {dimension_numbers = #tpu.dot_dimension_numbers<[1], [0], [0], [1], [0, 0, 1, 1], [], []>, transpose_lhs_hint = false} : vector<2048x1024xf32>, vector<1024x128xf32>, vector<2048x128xf32> -> vector<2048x128xf32>
    %slice3A = vector.extract_strided_slice %dot_general3A_7 {offsets = [0, 0], sizes = [2048, 8], strides = [1, 1]} : vector<2048x128xf32> to vector<2048x8xf32>
    %get3A_8 = arith.constant 0 : index
    %get3A_9 = arith.constant 0 : index
    %get3A_10 = vector.load %arg2[%get3A_8, %get3A_9] : memref<1x8xf32, #tpu.memory_space<vmem>>, vector<1x8xf32>
    %add3A = vector.broadcast %get3A_10 : vector<1x8xf32> to vector<2048x8xf32>
    %add3A_11 = arith.addf %slice3A, %add3A : vector<2048x8xf32>
    %get3A_12 = arith.constant 0 : index
    %get3A_13 = arith.constant 0 : index
    %get3A_14 = vector.load %arg3[%get3A_12, %get3A_13] : memref<1x1xf32, #tpu.memory_space<vmem>>, vector<1x1xf32>
    %get3A_15 = vector.extract %get3A_14[0, 0] : f32 from vector<1x1xf32>
    %iota3A = tpu.iota {dimensions = array<i32: 1>} : vector<2048x8xi32>
    %reduce_max3A = arith.constant dense<0xFF800000> : vector<2048xf32>
    %reduce_max3A_16 = vector.multi_reduction <maximumf>, %add3A_11, %reduce_max3A [1] : vector<2048x8xf32> to vector<2048xf32>
    %broadcast_in_dim3A = vector.shape_cast %reduce_max3A_16 : vector<2048xf32> to vector<2048x1xf32>
    %eq3A = vector.broadcast %broadcast_in_dim3A : vector<2048x1xf32> to vector<2048x8xf32>
    %eq3A_17 = arith.cmpf oeq, %add3A_11, %eq3A : vector<2048x8xf32>
    %jit3A = arith.constant 8 : i32
    %broadcast_in_dim3A_18 = vector.broadcast %jit3A : i32 to vector<2048x8xi32>
    %select_n3A = arith.select %eq3A_17, %iota3A, %broadcast_in_dim3A_18 : vector<2048x8xi1>, vector<2048x8xi32>
    %reduce_min3A = arith.constant dense<2147483647> : vector<2048xi32>
    %reduce_min3A_19 = vector.multi_reduction <minsi>, %select_n3A, %reduce_min3A [1] : vector<2048x8xi32> to vector<2048xi32>
    %broadcast_in_dim3A_20 = vector.shape_cast %reduce_min3A_19 : vector<2048xi32> to vector<2048x1xi32>
    %eq3A_21 = vector.broadcast %broadcast_in_dim3A_20 : vector<2048x1xi32> to vector<2048x8xi32>
    %eq3A_22 = arith.cmpi eq, %iota3A, %eq3A_21 : vector<2048x8xi32>
    %ge3A = vector.broadcast %get3A_15 : f32 to vector<2048x1xf32>
    %ge3A_23 = arith.cmpf oge, %broadcast_in_dim3A, %ge3A : vector<2048x1xf32>
    %jit3A_24 = arith.constant 0xFF800000 : f32
    %broadcast_in_dim3A_25 = vector.broadcast %jit3A_24 : f32 to vector<2048x8xf32>
    %select_n3A_26 = arith.select %eq3A_22, %broadcast_in_dim3A_25, %add3A_11 : vector<2048x8xi1>, vector<2048x8xf32>
    %reduce_max3A_27 = arith.constant dense<0xFF800000> : vector<2048xf32>
    %reduce_max3A_28 = vector.multi_reduction <maximumf>, %select_n3A_26, %reduce_max3A_27 [1] : vector<2048x8xf32> to vector<2048xf32>
    %broadcast_in_dim3A_29 = vector.shape_cast %reduce_max3A_28 : vector<2048xf32> to vector<2048x1xf32>
    %eq3A_30 = vector.broadcast %broadcast_in_dim3A_29 : vector<2048x1xf32> to vector<2048x8xf32>
    %eq3A_31 = arith.cmpf oeq, %select_n3A_26, %eq3A_30 : vector<2048x8xf32>
    %jit3A_32 = arith.constant 8 : i32
    %broadcast_in_dim3A_33 = vector.broadcast %jit3A_32 : i32 to vector<2048x8xi32>
    %select_n3A_34 = arith.select %eq3A_31, %iota3A, %broadcast_in_dim3A_33 : vector<2048x8xi1>, vector<2048x8xi32>
    %reduce_min3A_35 = arith.constant dense<2147483647> : vector<2048xi32>
    %reduce_min3A_36 = vector.multi_reduction <minsi>, %select_n3A_34, %reduce_min3A_35 [1] : vector<2048x8xi32> to vector<2048xi32>
    %broadcast_in_dim3A_37 = vector.shape_cast %reduce_min3A_36 : vector<2048xi32> to vector<2048x1xi32>
    %eq3A_38 = vector.broadcast %broadcast_in_dim3A_37 : vector<2048x1xi32> to vector<2048x8xi32>
    %eq3A_39 = arith.cmpi eq, %iota3A, %eq3A_38 : vector<2048x8xi32>
    %ge3A_40 = vector.broadcast %get3A_15 : f32 to vector<2048x1xf32>
    %ge3A_41 = arith.cmpf oge, %broadcast_in_dim3A_29, %ge3A_40 : vector<2048x1xf32>
    %and3A = arith.andi %ge3A_23, %ge3A_41 : vector<2048x1xi1>
    %max3A = vector.broadcast %get3A_15 : f32 to vector<2048x1xf32>
    %max3A_42 = arith.maximumf %broadcast_in_dim3A, %max3A : vector<2048x1xf32>
    %sub3A = vector.broadcast %max3A_42 : vector<2048x1xf32> to vector<2048x8xf32>
    %sub3A_43 = arith.subf %add3A_11, %sub3A : vector<2048x8xf32>
    %exp3A = math.exp %sub3A_43 : vector<2048x8xf32>
    %sub3A_44 = vector.broadcast %get3A_15 : f32 to vector<2048x1xf32>
    %sub3A_45 = arith.subf %sub3A_44, %max3A_42 : vector<2048x1xf32>
    %exp3A_46 = math.exp %sub3A_45 : vector<2048x1xf32>
    %reduce_sum3A = arith.constant dense<0.000000e+00> : vector<2048xf32>
    %reduce_sum3A_47 = vector.multi_reduction <add>, %exp3A, %reduce_sum3A [1] : vector<2048x8xf32> to vector<2048xf32>
    %broadcast_in_dim3A_48 = vector.shape_cast %reduce_sum3A_47 : vector<2048xf32> to vector<2048x1xf32>
    %mul3A = arith.constant 8.000000e+00 : f32
    %mul3A_49 = vector.broadcast %mul3A : f32 to vector<2048x1xf32>
    %mul3A_50 = arith.mulf %mul3A_49, %exp3A_46 : vector<2048x1xf32>
    %add3A_51 = arith.addf %broadcast_in_dim3A_48, %mul3A_50 : vector<2048x1xf32>
    %div3A = vector.broadcast %add3A_51 : vector<2048x1xf32> to vector<2048x8xf32>
    %div3A_52 = arith.divf %exp3A, %div3A : vector<2048x8xf32>
    %jit3A_53 = arith.constant 0.000000e+00 : f32
    %broadcast_in_dim3A_54 = vector.broadcast %jit3A_53 : f32 to vector<2048x8xf32>
    %select_n3A_55 = arith.select %eq3A_22, %div3A_52, %broadcast_in_dim3A_54 : vector<2048x8xi1>, vector<2048x8xf32>
    %reduce_sum3A_56 = arith.constant dense<0.000000e+00> : vector<2048xf32>
    %reduce_sum3A_57 = vector.multi_reduction <add>, %select_n3A_55, %reduce_sum3A_56 [1] : vector<2048x8xf32> to vector<2048xf32>
    %broadcast_in_dim3A_58 = vector.shape_cast %reduce_sum3A_57 : vector<2048xf32> to vector<2048x1xf32>
    %jit3A_59 = arith.constant 0.000000e+00 : f32
    %broadcast_in_dim3A_60 = vector.broadcast %jit3A_59 : f32 to vector<2048x1xf32>
    %select_n3A_61 = arith.select %ge3A_23, %broadcast_in_dim3A_58, %broadcast_in_dim3A_60 : vector<2048x1xi1>, vector<2048x1xf32>
    %jit3A_62 = arith.constant 0.000000e+00 : f32
    %broadcast_in_dim3A_63 = vector.broadcast %jit3A_62 : f32 to vector<2048x8xf32>
    %select_n3A_64 = arith.select %eq3A_39, %div3A_52, %broadcast_in_dim3A_63 : vector<2048x8xi1>, vector<2048x8xf32>
    %reduce_sum3A_65 = arith.constant dense<0.000000e+00> : vector<2048xf32>
    %reduce_sum3A_66 = vector.multi_reduction <add>, %select_n3A_64, %reduce_sum3A_65 [1] : vector<2048x8xf32> to vector<2048xf32>
    %broadcast_in_dim3A_67 = vector.shape_cast %reduce_sum3A_66 : vector<2048xf32> to vector<2048x1xf32>
    %jit3A_68 = arith.constant 0.000000e+00 : f32
    %broadcast_in_dim3A_69 = vector.broadcast %jit3A_68 : f32 to vector<2048x1xf32>
    %select_n3A_70 = arith.select %and3A, %broadcast_in_dim3A_67, %broadcast_in_dim3A_69 : vector<2048x1xi1>, vector<2048x1xf32>
    %add3A_71 = arith.addf %select_n3A_61, %select_n3A_70 : vector<2048x1xf32>
    %max3A_72 = arith.constant 9.99999997E-7 : f32
    %max3A_73 = vector.broadcast %max3A_72 : f32 to vector<2048x1xf32>
    %max3A_74 = arith.maximumf %add3A_71, %max3A_73 : vector<2048x1xf32>
    %div3A_75 = arith.divf %select_n3A_61, %max3A_74 : vector<2048x1xf32>
    %div3A_76 = arith.divf %select_n3A_70, %max3A_74 : vector<2048x1xf32>
    %sub3A_77 = vector.broadcast %broadcast_in_dim3A : vector<2048x1xf32> to vector<2048x8xf32>
    %sub3A_78 = arith.subf %add3A_11, %sub3A_77 : vector<2048x8xf32>
    %exp3A_79 = math.exp %sub3A_78 : vector<2048x8xf32>
    %reduce_sum3A_80 = arith.constant dense<0.000000e+00> : vector<2048xf32>
    %reduce_sum3A_81 = vector.multi_reduction <add>, %exp3A_79, %reduce_sum3A_80 [1] : vector<2048x8xf32> to vector<2048xf32>
    %broadcast_in_dim3A_82 = vector.shape_cast %reduce_sum3A_81 : vector<2048xf32> to vector<2048x1xf32>
    %div3A_83 = vector.broadcast %broadcast_in_dim3A_82 : vector<2048x1xf32> to vector<2048x8xf32>
    %div3A_84 = arith.divf %exp3A_79, %div3A_83 : vector<2048x8xf32>
    %reduce_sum3A_85 = arith.constant dense<0.000000e+00> : vector<8xf32>
    %reduce_sum3A_86 = vector.multi_reduction <add>, %div3A_84, %reduce_sum3A_85 [0] : vector<2048x8xf32> to vector<8xf32>
    %div3A_87 = arith.constant 2.048000e+03 : f32
    %div3A_88 = vector.broadcast %div3A_87 : f32 to vector<8xf32>
    %div3A_89 = arith.divf %reduce_sum3A_86, %div3A_88 : vector<8xf32>
    %and3A_90 = vector.broadcast %ge3A_23 : vector<2048x1xi1> to vector<2048x8xi1>
    %and3A_91 = arith.andi %eq3A_22, %and3A_90 : vector<2048x8xi1>
    %convert_element_type3A_92 = arith.extui %and3A_91 : vector<2048x8xi1> to vector<2048x8xi32>
    %convert_element_type3A_93 = arith.sitofp %convert_element_type3A_92 : vector<2048x8xi32> to vector<2048x8xf32>
    %and3A_94 = vector.broadcast %and3A : vector<2048x1xi1> to vector<2048x8xi1>
    %and3A_95 = arith.andi %eq3A_39, %and3A_94 : vector<2048x8xi1>
    %convert_element_type3A_96 = arith.extui %and3A_95 : vector<2048x8xi1> to vector<2048x8xi32>
    %convert_element_type3A_97 = arith.sitofp %convert_element_type3A_96 : vector<2048x8xi32> to vector<2048x8xf32>
    %add3A_98 = arith.addf %convert_element_type3A_93, %convert_element_type3A_97 : vector<2048x8xf32>
    %reduce_sum3A_99 = arith.constant dense<0.000000e+00> : vector<8xf32>
    %reduce_sum3A_100 = vector.multi_reduction <add>, %add3A_98, %reduce_sum3A_99 [0] : vector<2048x8xf32> to vector<8xf32>
    %reduce_sum3A_101 = vector.shape_cast %reduce_sum3A_100 : vector<8xf32> to vector<1x8xf32>
    %reduce_sum3A_102 = arith.constant dense<0.000000e+00> : vector<1xf32>
    %reduce_sum3A_103 = vector.multi_reduction <add>, %reduce_sum3A_101, %reduce_sum3A_102 [1] : vector<1x8xf32> to vector<1xf32>
    %reduce_sum3A_104 = vector.shape_cast %reduce_sum3A_103 : vector<1xf32> to vector<1x1xf32>
    %reduce_sum3A_105 = vector.extract %reduce_sum3A_104[0, 0] : f32 from vector<1x1xf32>
    %max3A_106 = arith.constant 9.99999997E-7 : f32
    %max3A_107 = arith.maximumf %reduce_sum3A_105, %max3A_106 : f32
    %div3A_108 = vector.broadcast %max3A_107 : f32 to vector<8xf32>
    %div3A_109 = arith.divf %reduce_sum3A_100, %div3A_108 : vector<8xf32>
    %mul3A_110 = arith.mulf %div3A_109, %div3A_89 : vector<8xf32>
    %reduce_sum3A_111 = vector.shape_cast %mul3A_110 : vector<8xf32> to vector<1x8xf32>
    %reduce_sum3A_112 = arith.constant dense<0.000000e+00> : vector<1xf32>
    %reduce_sum3A_113 = vector.multi_reduction <add>, %reduce_sum3A_111, %reduce_sum3A_112 [1] : vector<1x8xf32> to vector<1xf32>
    %reduce_sum3A_114 = vector.shape_cast %reduce_sum3A_113 : vector<1xf32> to vector<1x1xf32>
    %reduce_sum3A_115 = vector.extract %reduce_sum3A_114[0, 0] : f32 from vector<1x1xf32>
    %mul3A_116 = arith.constant 8.000000e+00 : f32
    %mul3A_117 = arith.mulf %mul3A_116, %reduce_sum3A_115 : f32
    %reduce_sum3A_118 = vector.shape_cast %convert_element_type3A_93 : vector<2048x8xf32> to vector<1x2048x8xf32>
    %reduce_sum3A_119 = arith.constant dense<0.000000e+00> : vector<1xf32>
    %reduce_sum3A_120 = vector.multi_reduction <add>, %reduce_sum3A_118, %reduce_sum3A_119 [1, 2] : vector<1x2048x8xf32> to vector<1xf32>
    %reduce_sum3A_121 = vector.shape_cast %reduce_sum3A_120 : vector<1xf32> to vector<1x1x1xf32>
    %reduce_sum3A_122 = vector.extract %reduce_sum3A_121[0, 0, 0] : f32 from vector<1x1x1xf32>
    %reduce_sum3A_123 = vector.shape_cast %convert_element_type3A_97 : vector<2048x8xf32> to vector<1x2048x8xf32>
    %reduce_sum3A_124 = arith.constant dense<0.000000e+00> : vector<1xf32>
    %reduce_sum3A_125 = vector.multi_reduction <add>, %reduce_sum3A_123, %reduce_sum3A_124 [1, 2] : vector<1x2048x8xf32> to vector<1xf32>
    %reduce_sum3A_126 = vector.shape_cast %reduce_sum3A_125 : vector<1xf32> to vector<1x1x1xf32>
    %reduce_sum3A_127 = vector.extract %reduce_sum3A_126[0, 0, 0] : f32 from vector<1x1x1xf32>
    %add3A_128 = arith.addf %reduce_sum3A_122, %reduce_sum3A_127 : f32
    %sub3A_129 = arith.constant 4.096000e+03 : f32
    %sub3A_130 = arith.subf %sub3A_129, %add3A_128 : f32
    %div3A_131 = arith.constant 4.096000e+03 : f32
    %div3A_132 = arith.divf %sub3A_130, %div3A_131 : f32
    %sub3A_133 = arith.constant 5.000000e-01 : f32
    %sub3A_134 = arith.subf %div3A_132, %sub3A_133 : f32
    %integer_pow3A = arith.mulf %sub3A_134, %sub3A_134 : f32
    %log3A = math.log %add3A_51 : vector<2048x1xf32>
    %add3A_135 = arith.addf %max3A_42, %log3A : vector<2048x1xf32>
    %mul3A_136 = arith.mulf %add3A_135, %add3A_135 : vector<2048x1xf32>
    %reduce_sum3A_137 = vector.shape_cast %mul3A_136 : vector<2048x1xf32> to vector<1x2048x1xf32>
    %reduce_sum3A_138 = arith.constant dense<0.000000e+00> : vector<1xf32>
    %reduce_sum3A_139 = vector.multi_reduction <add>, %reduce_sum3A_137, %reduce_sum3A_138 [1, 2] : vector<1x2048x1xf32> to vector<1xf32>
    %reduce_sum3A_140 = vector.shape_cast %reduce_sum3A_139 : vector<1xf32> to vector<1x1x1xf32>
    %reduce_sum3A_141 = vector.extract %reduce_sum3A_140[0, 0, 0] : f32 from vector<1x1x1xf32>
    %div3A_142 = arith.constant 2.048000e+03 : f32
    %div3A_143 = arith.divf %reduce_sum3A_141, %div3A_142 : f32
    %mul3A_144 = arith.constant 2.000000e-02 : f32
    %mul3A_145 = arith.mulf %mul3A_144, %mul3A_117 : f32
    %mul3A_146 = arith.constant 1.000000e-03 : f32
    %mul3A_147 = arith.mulf %mul3A_146, %div3A_143 : f32
    %add3A_148 = arith.addf %mul3A_145, %mul3A_147 : f32
    %mul3A_149 = arith.constant 0.00999999977 : f32
    %mul3A_150 = arith.mulf %mul3A_149, %integer_pow3A : f32
    %add3A_151 = arith.addf %add3A_148, %mul3A_150 : f32
    %reshape3A = vector.broadcast %add3A_151 : f32 to vector<1x1xf32>
    %swap3A_152 = arith.constant 0 : index
    %swap3A_153 = arith.constant 0 : index
    %swap3A_154 = vector.load %arg6[%swap3A_152, %swap3A_153] : memref<1x1xf32, #tpu.memory_space<vmem>>, vector<1x1xf32>
    tpu.vector_store %arg6[%swap3A_152, %swap3A_153], %reshape3A {strides = array<i32>} : memref<1x1xf32, #tpu.memory_space<vmem>>, vector<1x1xf32>,
    %reduce_sum3A_155 = arith.constant dense<0.000000e+00> : vector<8xf32>
    %reduce_sum3A_156 = vector.multi_reduction <add>, %convert_element_type3A_93, %reduce_sum3A_155 [0] : vector<2048x8xf32> to vector<8xf32>
    %broadcast_in_dim3A_157 = vector.shape_cast %reduce_sum3A_156 : vector<8xf32> to vector<1x8xf32>
    %reduce_sum3A_158 = arith.constant dense<0.000000e+00> : vector<8xf32>
    %reduce_sum3A_159 = vector.multi_reduction <add>, %convert_element_type3A_97, %reduce_sum3A_158 [0] : vector<2048x8xf32> to vector<8xf32>
    %broadcast_in_dim3A_160 = vector.shape_cast %reduce_sum3A_159 : vector<8xf32> to vector<1x8xf32>
    %add3A_161 = arith.addf %broadcast_in_dim3A_157, %broadcast_in_dim3A_160 : vector<1x8xf32>
    %mul3A_162 = arith.constant 3.906250e-03 : f32
    %mul3A_163 = vector.broadcast %mul3A_162 : f32 to vector<1x8xf32>
    %mul3A_164 = arith.mulf %add3A_161, %mul3A_163 : vector<1x8xf32>
    %ceil3A = math.ceil %mul3A_164 : vector<1x8xf32>
    %mul3A_165 = arith.constant 2.560000e+02 : f32
    %mul3A_166 = vector.broadcast %mul3A_165 : f32 to vector<1x8xf32>
    %mul3A_167 = arith.mulf %ceil3A, %mul3A_166 : vector<1x8xf32>
    %iota3A_168 = tpu.iota {dimensions = array<i32: 0>} : vector<8x8xi32>
    %iota3A_169 = tpu.iota {dimensions = array<i32: 1>} : vector<8x8xi32>
    %lt3A = arith.cmpi slt, %iota3A_168, %iota3A_169 : vector<8x8xi32>
    %convert_element_type3A_170 = arith.extui %lt3A : vector<8x8xi1> to vector<8x8xi32>
    %convert_element_type3A_171 = arith.sitofp %convert_element_type3A_170 : vector<8x8xi32> to vector<8x8xf32>
    %dot_general3A_172 = arith.constant dense<0.000000e+00> : vector<1x8xf32>
    %dot_general3A_173 = tpu.matmul %mul3A_167, %convert_element_type3A_171, %dot_general3A_172 {dimension_numbers = #tpu.dot_dimension_numbers<[1], [0], [0], [1], [0, 0, 1, 1], [], []>, transpose_lhs_hint = false} : vector<1x8xf32>, vector<8x8xf32>, vector<1x8xf32> -> vector<1x8xf32>
    %add3A_174 = arith.addf %dot_general3A_173, %broadcast_in_dim3A_157 : vector<1x8xf32>
    %broadcast_in_dim3A_175 = arith.constant 0.000000e+00 : f32
    %broadcast_in_dim3A_176 = vector.broadcast %broadcast_in_dim3A_175 : f32 to vector<1x16xf32>
    %concatenate3A = tpu.concatenate %dot_general3A_173, %mul3A_167, %broadcast_in_dim3A_176 in 1 : vector<1x8xf32>, vector<1x8xf32>, vector<1x16xf32> -> vector<1x32xf32>
    %swap3A_177 = arith.constant 0 : index
    %swap3A_178 = arith.constant 0 : index
    %swap3A_179 = vector.load %arg5[%swap3A_177, %swap3A_178] : memref<1x32xf32, #tpu.memory_space<vmem>>, vector<1x32xf32>
    tpu.vector_store %arg5[%swap3A_177, %swap3A_178], %concatenate3A {strides = array<i32>} : memref<1x32xf32, #tpu.memory_space<vmem>>, vector<1x32xf32>,
    %swap3A_180 = arith.constant 0 : index
    %swap3A_181 = arith.constant 0 : index
    %swap3A_182 = vector.load %arg8[%swap3A_180, %swap3A_181] : memref<2048x8xf32, #tpu.memory_space<vmem>>, vector<2048x8xf32>
    tpu.vector_store %arg8[%swap3A_180, %swap3A_181], %convert_element_type3A_93 {strides = array<i32>} : memref<2048x8xf32, #tpu.memory_space<vmem>>, vector<2048x8xf32>,
    %swap3A_183 = arith.constant 0 : index
    %swap3A_184 = arith.constant 0 : index
    %swap3A_185 = vector.load %arg9[%swap3A_183, %swap3A_184] : memref<2048x8xf32, #tpu.memory_space<vmem>>, vector<2048x8xf32>
    tpu.vector_store %arg9[%swap3A_183, %swap3A_184], %convert_element_type3A_97 {strides = array<i32>} : memref<2048x8xf32, #tpu.memory_space<vmem>>, vector<2048x8xf32>,
    %convert_element_type3A_186 = arith.extui %ge3A_23 : vector<2048x1xi1> to vector<2048x1xi32>
    %convert_element_type3A_187 = arith.sitofp %convert_element_type3A_186 : vector<2048x1xi32> to vector<2048x1xf32>
    %convert_element_type3A_188 = arith.extui %and3A : vector<2048x1xi1> to vector<2048x1xi32>
    %convert_element_type3A_189 = arith.sitofp %convert_element_type3A_188 : vector<2048x1xi32> to vector<2048x1xf32>
    %broadcast_in_dim3A_190 = arith.constant 0.000000e+00 : f32
    %broadcast_in_dim3A_191 = vector.broadcast %broadcast_in_dim3A_190 : f32 to vector<2048x4xf32>
    %concatenate3A_192 = tpu.concatenate %div3A_75, %div3A_76, %convert_element_type3A_187, %convert_element_type3A_189, %broadcast_in_dim3A_191 in 1 : vector<2048x1xf32>, vector<2048x1xf32>, vector<2048x1xf32>, vector<2048x1xf32>, vector<2048x4xf32> -> vector<2048x8xf32>
    %swap3A_193 = arith.constant 0 : index
    %swap3A_194 = arith.constant 0 : index
    %swap3A_195 = vector.load %arg10[%swap3A_193, %swap3A_194] : memref<2048x8xf32, #tpu.memory_space<vmem>>, vector<2048x8xf32>
    tpu.vector_store %arg10[%swap3A_193, %swap3A_194], %concatenate3A_192 {strides = array<i32>} : memref<2048x8xf32, #tpu.memory_space<vmem>>, vector<2048x8xf32>,
    %iota3A_196 = tpu.iota {dimensions = array<i32: 0>} : vector<256x256xi32>
    %iota3A_197 = tpu.iota {dimensions = array<i32: 1>} : vector<256x256xi32>
    %lt3A_198 = arith.cmpi slt, %iota3A_197, %iota3A_196 : vector<256x256xi32>
    %convert_element_type3A_199 = arith.extui %lt3A_198 : vector<256x256xi1> to vector<256x256xi32>
    %convert_element_type3A_200 = arith.sitofp %convert_element_type3A_199 : vector<256x256xi32> to vector<256x256xf32>
    %broadcast_in_dim3A_201 = arith.constant 0.000000e+00 : f32
    %broadcast_in_dim3A_202 = vector.broadcast %broadcast_in_dim3A_201 : f32 to vector<1x8xf32>
    %broadcast_in_dim3A_203 = arith.constant 0.000000e+00 : f32
    %broadcast_in_dim3A_204 = vector.broadcast %broadcast_in_dim3A_203 : f32 to vector<1x8xf32>
    %scan3A = arith.constant 0 : i32
    %scan3A_205 = arith.constant 8 : i32
    %scan3A_206 = arith.addi %scan3A, %scan3A_205 : i32
    %scan3A_207 = arith.constant 1 : i32
    %scan3A_208:2 = scf.for %scan3A_210 = %scan3A to %scan3A_206 step %scan3A_207 iter_args(%scan3A_211 = %broadcast_in_dim3A_202, %scan3A_212 = %broadcast_in_dim3A_204) -> (vector<1x8xf32>, vector<1x8xf32>)  : i32 {
      %mul3A_213 = arith.constant 256 : i32
      %mul3A_214 = arith.muli %scan3A_210, %mul3A_213 : i32
      %get3A_215 = arith.index_cast %mul3A_214 : i32 to index
      %get3A_216 = arith.constant 0 : index
      %get3A_217 = vector.load %arg8[%get3A_215, %get3A_216] : memref<2048x8xf32, #tpu.memory_space<vmem>>, vector<256x8xf32>
      %get3A_218 = arith.index_cast %mul3A_214 : i32 to index
      %get3A_219 = arith.constant 0 : index
      %get3A_220 = vector.load %arg9[%get3A_218, %get3A_219] : memref<2048x8xf32, #tpu.memory_space<vmem>>, vector<256x8xf32>
      %get3A_221 = arith.index_cast %mul3A_214 : i32 to index
      %get3A_222 = arith.constant 0 : index
      %get3A_223 = vector.load %arg10[%get3A_221, %get3A_222] : memref<2048x8xf32, #tpu.memory_space<vmem>>, vector<256x8xf32>
      %slice3A_224 = vector.extract_strided_slice %get3A_223 {offsets = [0, 0], sizes = [256, 1], strides = [1, 1]} : vector<256x8xf32> to vector<256x1xf32>
      %slice3A_225 = vector.extract_strided_slice %get3A_223 {offsets = [0, 1], sizes = [256, 1], strides = [1, 1]} : vector<256x8xf32> to vector<256x1xf32>
      %slice3A_226 = vector.extract_strided_slice %get3A_223 {offsets = [0, 2], sizes = [256, 1], strides = [1, 1]} : vector<256x8xf32> to vector<256x1xf32>
      %gt3A = arith.constant 5.000000e-01 : f32
      %gt3A_227 = vector.broadcast %gt3A : f32 to vector<256x1xf32>
      %gt3A_228 = arith.cmpf ogt, %slice3A_226, %gt3A_227 : vector<256x1xf32>
      %slice3A_229 = vector.extract_strided_slice %get3A_223 {offsets = [0, 3], sizes = [256, 1], strides = [1, 1]} : vector<256x8xf32> to vector<256x1xf32>
      %gt3A_230 = arith.constant 5.000000e-01 : f32
      %gt3A_231 = vector.broadcast %gt3A_230 : f32 to vector<256x1xf32>
      %gt3A_232 = arith.cmpf ogt, %slice3A_229, %gt3A_231 : vector<256x1xf32>
      %dot_general3A_233 = arith.constant dense<0.000000e+00> : vector<256x8xf32>
      %dot_general3A_234 = tpu.matmul %convert_element_type3A_200, %get3A_217, %dot_general3A_233 {dimension_numbers = #tpu.dot_dimension_numbers<[1], [0], [0], [1], [0, 0, 1, 1], [], []>, transpose_lhs_hint = false} : vector<256x256xf32>, vector<256x8xf32>, vector<256x8xf32> -> vector<256x8xf32>
      %add3A_235 = vector.broadcast %scan3A_211 : vector<1x8xf32> to vector<256x8xf32>
      %add3A_236 = arith.addf %dot_general3A_234, %add3A_235 : vector<256x8xf32>
      %dot_general3A_237 = arith.constant dense<0.000000e+00> : vector<256x8xf32>
      %dot_general3A_238 = tpu.matmul %convert_element_type3A_200, %get3A_220, %dot_general3A_237 {dimension_numbers = #tpu.dot_dimension_numbers<[1], [0], [0], [1], [0, 0, 1, 1], [], []>, transpose_lhs_hint = false} : vector<256x256xf32>, vector<256x8xf32>, vector<256x8xf32> -> vector<256x8xf32>
      %add3A_239 = vector.broadcast %scan3A_212 : vector<1x8xf32> to vector<256x8xf32>
      %add3A_240 = arith.addf %dot_general3A_238, %add3A_239 : vector<256x8xf32>
      %add3A_241 = vector.broadcast %dot_general3A_173 : vector<1x8xf32> to vector<256x8xf32>
      %add3A_242 = arith.addf %add3A_241, %add3A_236 : vector<256x8xf32>
      %mul3A_243 = arith.mulf %get3A_217, %add3A_242 : vector<256x8xf32>
      %reduce_sum3A_244 = arith.constant dense<0.000000e+00> : vector<256xf32>
      %reduce_sum3A_245 = vector.multi_reduction <add>, %mul3A_243, %reduce_sum3A_244 [1] : vector<256x8xf32> to vector<256xf32>
      %broadcast_in_dim3A_246 = vector.shape_cast %reduce_sum3A_245 : vector<256xf32> to vector<256x1xf32>
      %add3A_247 = vector.broadcast %add3A_174 : vector<1x8xf32> to vector<256x8xf32>
      %add3A_248 = arith.addf %add3A_247, %add3A_240 : vector<256x8xf32>
      %mul3A_249 = arith.mulf %get3A_220, %add3A_248 : vector<256x8xf32>
      %reduce_sum3A_250 = arith.constant dense<0.000000e+00> : vector<256xf32>
      %reduce_sum3A_251 = vector.multi_reduction <add>, %mul3A_249, %reduce_sum3A_250 [1] : vector<256x8xf32> to vector<256xf32>
      %broadcast_in_dim3A_252 = vector.shape_cast %reduce_sum3A_251 : vector<256xf32> to vector<256x1xf32>
      %jit3A_253 = arith.constant 6.143000e+03 : f32
      %broadcast_in_dim3A_254 = vector.broadcast %jit3A_253 : f32 to vector<256x1xf32>
      %select_n3A_255 = arith.select %gt3A_228, %broadcast_in_dim3A_246, %broadcast_in_dim3A_254 : vector<256x1xi1>, vector<256x1xf32>
      %jit3A_256 = arith.constant 6.143000e+03 : f32
      %broadcast_in_dim3A_257 = vector.broadcast %jit3A_256 : f32 to vector<256x1xf32>
      %select_n3A_258 = arith.select %gt3A_232, %broadcast_in_dim3A_252, %broadcast_in_dim3A_257 : vector<256x1xi1>, vector<256x1xf32>
      %jit3A_259 = arith.constant -1.000000e+00 : f32
      %broadcast_in_dim3A_260 = vector.broadcast %jit3A_259 : f32 to vector<256x1xf32>
      %select_n3A_261 = arith.select %gt3A_228, %broadcast_in_dim3A_246, %broadcast_in_dim3A_260 : vector<256x1xi1>, vector<256x1xf32>
      %jit3A_262 = arith.constant -1.000000e+00 : f32
      %broadcast_in_dim3A_263 = vector.broadcast %jit3A_262 : f32 to vector<256x1xf32>
      %select_n3A_264 = arith.select %gt3A_232, %broadcast_in_dim3A_252, %broadcast_in_dim3A_263 : vector<256x1xi1>, vector<256x1xf32>
      %broadcast_in_dim3A_265 = arith.constant 0.000000e+00 : f32
      %broadcast_in_dim3A_266 = vector.broadcast %broadcast_in_dim3A_265 : f32 to vector<256x2xf32>
      %concatenate3A_267 = tpu.concatenate %slice3A_224, %slice3A_225, %select_n3A_255, %select_n3A_258, %select_n3A_261, %select_n3A_264, %broadcast_in_dim3A_266 in 1 : vector<256x1xf32>, vector<256x1xf32>, vector<256x1xf32>, vector<256x1xf32>, vector<256x1xf32>, vector<256x1xf32>, vector<256x2xf32> -> vector<256x8xf32>
      %swap3A_268 = arith.index_cast %mul3A_214 : i32 to index
      %swap3A_269 = arith.constant 0 : index
      %swap3A_270 = vector.load %arg4[%swap3A_268, %swap3A_269] : memref<2048x8xf32, #tpu.memory_space<vmem>>, vector<256x8xf32>
      tpu.vector_store %arg4[%swap3A_268, %swap3A_269], %concatenate3A_267 {strides = array<i32>} : memref<2048x8xf32, #tpu.memory_space<vmem>>, vector<256x8xf32>,
      %reduce_sum3A_271 = arith.constant dense<0.000000e+00> : vector<8xf32>
      %reduce_sum3A_272 = vector.multi_reduction <add>, %get3A_217, %reduce_sum3A_271 [0] : vector<256x8xf32> to vector<8xf32>
      %broadcast_in_dim3A_273 = vector.shape_cast %reduce_sum3A_272 : vector<8xf32> to vector<1x8xf32>
      %add3A_274 = arith.addf %scan3A_211, %broadcast_in_dim3A_273 : vector<1x8xf32>
      %reduce_sum3A_275 = arith.constant dense<0.000000e+00> : vector<8xf32>
      %reduce_sum3A_276 = vector.multi_reduction <add>, %get3A_220, %reduce_sum3A_275 [0] : vector<256x8xf32> to vector<8xf32>
      %broadcast_in_dim3A_277 = vector.shape_cast %reduce_sum3A_276 : vector<8xf32> to vector<1x8xf32>
      %add3A_278 = arith.addf %scan3A_212, %broadcast_in_dim3A_277 : vector<1x8xf32>
      scf.yield %add3A_274, %add3A_278 : vector<1x8xf32>, vector<1x8xf32>
    }
    %scan3A_209 = arith.constant 8 : i32
    return
  }
}

module attributes {stable_mosaic.version = 14 : i64} {
  func.func @_fused_kernel(%arg0: i32, %arg1: memref<32xi32, #tpu.memory_space<smem>>, %arg2: memref<32xi32, #tpu.memory_space<smem>>, %arg3: memref<1x1x256xi32, #tpu.memory_space<vmem>>, %arg4: memref<2048x1024xbf16, #tpu.memory_space<vmem>>, %arg5: memref<1x1024x1024xf32, #tpu.memory_space<vmem>>, %arg6: memref<1x1024x1024xf32, #tpu.memory_space<vmem>>, %arg7: memref<1x1024x1024xf32, #tpu.memory_space<vmem>>, %arg8: memref<256x8xf32, #tpu.memory_space<vmem>>, %arg9: memref<1024x1024xf32, #tpu.memory_space<vmem>>, %arg10: memref<1024x1024xf32, #tpu.memory_space<vmem>>, %arg11: memref<1024x1024xf32, #tpu.memory_space<vmem>>, %arg12: memref<256x1024xf32, #tpu.memory_space<vmem>>, %arg13: memref<6144x1024xbf16, #tpu.memory_space<vmem>>, %arg14: memref<1024x1024xbf16, #tpu.memory_space<vmem>>, %arg15: memref<1024x1024xbf16, #tpu.memory_space<vmem>>) attributes {dimension_semantics = [#tpu.dimension_semantics<arbitrary>], iteration_bounds = array<i64: 32>, scalar_prefetch = 2 : i64, scratch_operands = 3 : i64, tpu.core_type = #tpu.core_type<tc>, window_params = [{transform_indices = @transform_0, window_bounds = array<i64: 1, 1, 256>}, {pipeline_mode = #tpu.pipeline_mode<synchronous>, transform_indices = @transform_1, window_bounds = array<i64: 2048, 1024>}, {transform_indices = @transform_2, window_bounds = array<i64: 1, 1024, 1024>}, {transform_indices = @transform_3, window_bounds = array<i64: 1, 1024, 1024>}, {transform_indices = @transform_4, window_bounds = array<i64: 1, 1024, 1024>}, {transform_indices = @transform_5, window_bounds = array<i64: 256, 8>}, {pipeline_mode = #tpu.pipeline_mode<synchronous>, transform_indices = @transform_6, window_bounds = array<i64: 1024, 1024>}, {pipeline_mode = #tpu.pipeline_mode<synchronous>, transform_indices = @transform_7, window_bounds = array<i64: 1024, 1024>}, {pipeline_mode = #tpu.pipeline_mode<synchronous>, transform_indices = @transform_8, window_bounds = array<i64: 1024, 1024>}, {transform_indices = @transform_9, window_bounds = array<i64: 256, 1024>}]} {
    %lt3A = arith.constant 24 : i32
    %lt3A_0 = arith.cmpi slt, %arg0, %lt3A : i32
    %eq3A = arith.constant 0 : i32
    %eq3A_1 = arith.cmpi eq, %arg0, %eq3A : i32
    %get3A = arith.index_cast %arg0 : i32 to index
    %get3A_2 = memref.load %arg1[%get3A] : memref<32xi32, #tpu.memory_space<smem>>
    %sub3A = arith.constant 1 : i32
    %sub3A_3 = arith.subi %arg0, %sub3A : i32
    %max3A = arith.constant 0 : i32
    %max3A_4 = arith.maxsi %sub3A_3, %max3A : i32
    %get3A_5 = arith.index_cast %max3A_4 : i32 to index
    %get3A_6 = memref.load %arg1[%get3A_5] : memref<32xi32, #tpu.memory_space<smem>>
    %ne3A = arith.cmpi ne, %get3A_2, %get3A_6 : i32
    %or3A = arith.ori %eq3A_1, %ne3A : i1
    %get3A_7 = arith.index_cast %arg0 : i32 to index
    %get3A_8 = memref.load %arg2[%get3A_7] : memref<32xi32, #tpu.memory_space<smem>>
    %eq3A_9 = arith.constant 1 : i32
    %eq3A_10 = arith.cmpi eq, %get3A_8, %eq3A_9 : i32
    %and3A = arith.andi %eq3A_10, %or3A : i1
    %and3A_11 = arith.andi %lt3A_0, %and3A : i1
    %convert_element_type3A = arith.extui %and3A_11 : i1 to i32
    %cond3A = arith.constant 0 : i32
    %cond3A_12 = arith.cmpi ne, %convert_element_type3A, %cond3A : i32
    scf.if %cond3A_12 {
      %get3A_33 = arith.constant 0 : index
      %get3A_34 = arith.constant 0 : index
      %get3A_35 = arith.constant 0 : index
      %get3A_36 = vector.load %arg5[%get3A_33, %get3A_34, %get3A_35] : memref<1x1024x1024xf32, #tpu.memory_space<vmem>>, vector<1x1024x1024xf32>
      %get3A_37 = vector.shape_cast %get3A_36 : vector<1x1024x1024xf32> to vector<1024x1024xf32>
      %convert_element_type3A_38 = arith.truncf %get3A_37 : vector<1024x1024xf32> to vector<1024x1024xbf16>
      %swap3A = arith.constant 0 : index
      %swap3A_39 = arith.constant 0 : index
      %swap3A_40 = vector.load %arg14[%swap3A, %swap3A_39] : memref<1024x1024xbf16, #tpu.memory_space<vmem>>, vector<1024x1024xbf16>
      tpu.vector_store %arg14[%swap3A, %swap3A_39], %convert_element_type3A_38 {strides = array<i32>} : memref<1024x1024xbf16, #tpu.memory_space<vmem>>, vector<1024x1024xbf16>,
      %get3A_41 = arith.constant 0 : index
      %get3A_42 = arith.constant 0 : index
      %get3A_43 = arith.constant 0 : index
      %get3A_44 = vector.load %arg6[%get3A_41, %get3A_42, %get3A_43] : memref<1x1024x1024xf32, #tpu.memory_space<vmem>>, vector<1x1024x1024xf32>
      %get3A_45 = vector.shape_cast %get3A_44 : vector<1x1024x1024xf32> to vector<1024x1024xf32>
      %convert_element_type3A_46 = arith.truncf %get3A_45 : vector<1024x1024xf32> to vector<1024x1024xbf16>
      %swap3A_47 = arith.constant 0 : index
      %swap3A_48 = arith.constant 0 : index
      %swap3A_49 = vector.load %arg15[%swap3A_47, %swap3A_48] : memref<1024x1024xbf16, #tpu.memory_space<vmem>>, vector<1024x1024xbf16>
      tpu.vector_store %arg15[%swap3A_47, %swap3A_48], %convert_element_type3A_46 {strides = array<i32>} : memref<1024x1024xbf16, #tpu.memory_space<vmem>>, vector<1024x1024xbf16>,
    } else {
    }
    %get3A_13 = arith.index_cast %arg0 : i32 to index
    %get3A_14 = memref.load %arg2[%get3A_13] : memref<32xi32, #tpu.memory_space<smem>>
    %eq3A_15 = arith.constant 1 : i32
    %eq3A_16 = arith.cmpi eq, %get3A_14, %eq3A_15 : i32
    %and3A_17 = arith.andi %lt3A_0, %eq3A_16 : i1
    %convert_element_type3A_18 = arith.extui %and3A_17 : i1 to i32
    %cond3A_19 = arith.constant 0 : i32
    %cond3A_20 = arith.cmpi ne, %convert_element_type3A_18, %cond3A_19 : i32
    scf.if %cond3A_20 {
      %get3A_33 = arith.constant 0 : index
      %get3A_34 = arith.constant 0 : index
      %get3A_35 = arith.constant 0 : index
      %get3A_36 = vector.load %arg3[%get3A_33, %get3A_34, %get3A_35] : memref<1x1x256xi32, #tpu.memory_space<vmem>>, vector<1x1x256xi32>
      %get3A_37 = vector.shape_cast %get3A_36 : vector<1x1x256xi32> to vector<256xi32>
      %broadcast_in_dim3A = vector.shape_cast %get3A_37 : vector<256xi32> to vector<256x1xi32>
      %iota3A = tpu.iota {dimensions = array<i32: 1>} : vector<256x2048xi32>
      %eq3A_38 = vector.broadcast %broadcast_in_dim3A : vector<256x1xi32> to vector<256x2048xi32>
      %eq3A_39 = arith.cmpi eq, %eq3A_38, %iota3A : vector<256x2048xi32>
      %convert_element_type3A_40 = arith.extui %eq3A_39 : vector<256x2048xi1> to vector<256x2048xi32>
      %convert_element_type3A_41 = arith.sitofp %convert_element_type3A_40 : vector<256x2048xi32> to vector<256x2048xf32>
      %convert_element_type3A_42 = arith.truncf %convert_element_type3A_41 : vector<256x2048xf32> to vector<256x2048xbf16>
      %get3A_43 = arith.constant 0 : index
      %get3A_44 = arith.constant 0 : index
      %get3A_45 = vector.load %arg4[%get3A_43, %get3A_44] : memref<2048x1024xbf16, #tpu.memory_space<vmem>>, vector<2048x1024xbf16>
      %dot_general3A = arith.constant dense<0.000000e+00> : vector<256x1024xf32>
      %dot_general3A_46 = tpu.matmul %convert_element_type3A_42, %get3A_45, %dot_general3A {dimension_numbers = #tpu.dot_dimension_numbers<[1], [0], [0], [1], [0, 0, 1, 1], [], []>, transpose_lhs_hint = false} : vector<256x2048xbf16>, vector<2048x1024xbf16>, vector<256x1024xf32> -> vector<256x1024xf32>
      %convert_element_type3A_47 = arith.truncf %dot_general3A_46 : vector<256x1024xf32> to vector<256x1024xbf16>
      %get3A_48 = arith.constant 0 : index
      %get3A_49 = arith.constant 0 : index
      %get3A_50 = vector.load %arg14[%get3A_48, %get3A_49] : memref<1024x1024xbf16, #tpu.memory_space<vmem>>, vector<1024x1024xbf16>
      %dot_general3A_51 = arith.constant dense<0.000000e+00> : vector<256x1024xf32>
      %dot_general3A_52 = tpu.matmul %convert_element_type3A_47, %get3A_50, %dot_general3A_51 {dimension_numbers = #tpu.dot_dimension_numbers<[1], [0], [0], [1], [0, 0, 1, 1], [], []>, transpose_lhs_hint = false} : vector<256x1024xbf16>, vector<1024x1024xbf16>, vector<256x1024xf32> -> vector<256x1024xf32>
      %get3A_53 = arith.constant 0 : index
      %get3A_54 = arith.constant 0 : index
      %get3A_55 = vector.load %arg15[%get3A_53, %get3A_54] : memref<1024x1024xbf16, #tpu.memory_space<vmem>>, vector<1024x1024xbf16>
      %dot_general3A_56 = arith.constant dense<0.000000e+00> : vector<256x1024xf32>
      %dot_general3A_57 = tpu.matmul %convert_element_type3A_47, %get3A_55, %dot_general3A_56 {dimension_numbers = #tpu.dot_dimension_numbers<[1], [0], [0], [1], [0, 0, 1, 1], [], []>, transpose_lhs_hint = false} : vector<256x1024xbf16>, vector<1024x1024xbf16>, vector<256x1024xf32> -> vector<256x1024xf32>
      %logistic3A = arith.negf %dot_general3A_52 : vector<256x1024xf32>
      %logistic3A_58 = math.exp %logistic3A : vector<256x1024xf32>
      %logistic3A_59 = arith.constant 1.000000e+00 : f32
      %logistic3A_60 = vector.broadcast %logistic3A_59 : f32 to vector<256x1024xf32>
      %logistic3A_61 = arith.addf %logistic3A_60, %logistic3A_58 : vector<256x1024xf32>
      %logistic3A_62 = arith.divf %logistic3A_60, %logistic3A_61 : vector<256x1024xf32>
      %mul3A = arith.mulf %dot_general3A_52, %logistic3A_62 : vector<256x1024xf32>
      %mul3A_63 = arith.mulf %mul3A, %dot_general3A_57 : vector<256x1024xf32>
      %convert_element_type3A_64 = arith.truncf %mul3A_63 : vector<256x1024xf32> to vector<256x1024xbf16>
      %get3A_65 = arith.constant 0 : index
      %get3A_66 = arith.constant 0 : index
      %get3A_67 = arith.constant 0 : index
      %get3A_68 = vector.load %arg7[%get3A_65, %get3A_66, %get3A_67] : memref<1x1024x1024xf32, #tpu.memory_space<vmem>>, vector<1x1024x1024xf32>
      %get3A_69 = vector.shape_cast %get3A_68 : vector<1x1024x1024xf32> to vector<1024x1024xf32>
      %convert_element_type3A_70 = arith.truncf %get3A_69 : vector<1024x1024xf32> to vector<1024x1024xbf16>
      %dot_general3A_71 = arith.constant dense<0.000000e+00> : vector<256x1024xf32>
      %dot_general3A_72 = tpu.matmul %convert_element_type3A_64, %convert_element_type3A_70, %dot_general3A_71 {dimension_numbers = #tpu.dot_dimension_numbers<[1], [0], [0], [1], [0, 0, 1, 1], [], []>, transpose_lhs_hint = false} : vector<256x1024xbf16>, vector<1024x1024xbf16>, vector<256x1024xf32> -> vector<256x1024xf32>
      %convert_element_type3A_73 = arith.truncf %dot_general3A_72 : vector<256x1024xf32> to vector<256x1024xbf16>
      %mul3A_74 = arith.constant 256 : i32
      %mul3A_75 = arith.muli %arg0, %mul3A_74 : i32
      %swap3A = arith.index_cast %mul3A_75 : i32 to index
      %swap3A_76 = arith.constant 0 : index
      %swap3A_77 = vector.load %arg13[%swap3A, %swap3A_76] : memref<6144x1024xbf16, #tpu.memory_space<vmem>>, vector<256x1024xbf16>
      tpu.vector_store %arg13[%swap3A, %swap3A_76], %convert_element_type3A_73 {strides = array<i32>} : memref<6144x1024xbf16, #tpu.memory_space<vmem>>, vector<256x1024xbf16>,
    } else {
    }
    %get3A_21 = arith.index_cast %arg0 : i32 to index
    %get3A_22 = memref.load %arg2[%get3A_21] : memref<32xi32, #tpu.memory_space<smem>>
    %eq3A_23 = arith.constant 0 : i32
    %eq3A_24 = arith.cmpi eq, %get3A_22, %eq3A_23 : i32
    %and3A_25 = arith.andi %lt3A_0, %eq3A_24 : i1
    %convert_element_type3A_26 = arith.extui %and3A_25 : i1 to i32
    %cond3A_27 = arith.constant 0 : i32
    %cond3A_28 = arith.cmpi ne, %convert_element_type3A_26, %cond3A_27 : i32
    scf.if %cond3A_28 {
      %broadcast_in_dim3A = arith.constant 0.000000e+00 : bf16
      %broadcast_in_dim3A_33 = vector.broadcast %broadcast_in_dim3A : bf16 to vector<256x1024xbf16>
      %mul3A = arith.constant 256 : i32
      %mul3A_34 = arith.muli %arg0, %mul3A : i32
      %swap3A = arith.index_cast %mul3A_34 : i32 to index
      %swap3A_35 = arith.constant 0 : index
      %swap3A_36 = vector.load %arg13[%swap3A, %swap3A_35] : memref<6144x1024xbf16, #tpu.memory_space<vmem>>, vector<256x1024xbf16>
      tpu.vector_store %arg13[%swap3A, %swap3A_35], %broadcast_in_dim3A_33 {strides = array<i32>} : memref<6144x1024xbf16, #tpu.memory_space<vmem>>, vector<256x1024xbf16>,
    } else {
    }
    %not3A = arith.constant true
    %not3A_29 = arith.xori %lt3A_0, %not3A : i1
    %convert_element_type3A_30 = arith.extui %not3A_29 : i1 to i32
    %cond3A_31 = arith.constant 0 : i32
    %cond3A_32 = arith.cmpi ne, %convert_element_type3A_30, %cond3A_31 : i32
    scf.if %cond3A_32 {
      %sub3A_33 = arith.constant 24 : i32
      %sub3A_34 = arith.subi %arg0, %sub3A_33 : i32
      %mul3A = arith.constant 256 : i32
      %mul3A_35 = arith.muli %sub3A_34, %mul3A : i32
      %get3A_36 = arith.index_cast %mul3A_35 : i32 to index
      %get3A_37 = arith.constant 0 : index
      %get3A_38 = vector.load %arg4[%get3A_36, %get3A_37] : memref<2048x1024xbf16, #tpu.memory_space<vmem>>, vector<256x1024xbf16>
      %get3A_39 = arith.constant 0 : index
      %get3A_40 = arith.constant 0 : index
      %get3A_41 = vector.load %arg9[%get3A_39, %get3A_40] : memref<1024x1024xf32, #tpu.memory_space<vmem>>, vector<1024x1024xf32>
      %convert_element_type3A_42 = arith.truncf %get3A_41 : vector<1024x1024xf32> to vector<1024x1024xbf16>
      %dot_general3A = arith.constant dense<0.000000e+00> : vector<256x1024xf32>
      %dot_general3A_43 = tpu.matmul %get3A_38, %convert_element_type3A_42, %dot_general3A {dimension_numbers = #tpu.dot_dimension_numbers<[1], [1], [0], [0], [0, 0, 1, 0], [], []>, transpose_lhs_hint = false} : vector<256x1024xbf16>, vector<1024x1024xbf16>, vector<256x1024xf32> -> vector<256x1024xf32>
      %get3A_44 = arith.constant 0 : index
      %get3A_45 = arith.constant 0 : index
      %get3A_46 = vector.load %arg10[%get3A_44, %get3A_45] : memref<1024x1024xf32, #tpu.memory_space<vmem>>, vector<1024x1024xf32>
      %convert_element_type3A_47 = arith.truncf %get3A_46 : vector<1024x1024xf32> to vector<1024x1024xbf16>
      %dot_general3A_48 = arith.constant dense<0.000000e+00> : vector<256x1024xf32>
      %dot_general3A_49 = tpu.matmul %get3A_38, %convert_element_type3A_47, %dot_general3A_48 {dimension_numbers = #tpu.dot_dimension_numbers<[1], [1], [0], [0], [0, 0, 1, 0], [], []>, transpose_lhs_hint = false} : vector<256x1024xbf16>, vector<1024x1024xbf16>, vector<256x1024xf32> -> vector<256x1024xf32>
      %logistic3A = arith.negf %dot_general3A_43 : vector<256x1024xf32>
      %logistic3A_50 = math.exp %logistic3A : vector<256x1024xf32>
      %logistic3A_51 = arith.constant 1.000000e+00 : f32
      %logistic3A_52 = vector.broadcast %logistic3A_51 : f32 to vector<256x1024xf32>
      %logistic3A_53 = arith.addf %logistic3A_52, %logistic3A_50 : vector<256x1024xf32>
      %logistic3A_54 = arith.divf %logistic3A_52, %logistic3A_53 : vector<256x1024xf32>
      %mul3A_55 = arith.mulf %dot_general3A_43, %logistic3A_54 : vector<256x1024xf32>
      %mul3A_56 = arith.mulf %mul3A_55, %dot_general3A_49 : vector<256x1024xf32>
      %convert_element_type3A_57 = arith.truncf %mul3A_56 : vector<256x1024xf32> to vector<256x1024xbf16>
      %get3A_58 = arith.constant 0 : index
      %get3A_59 = arith.constant 0 : index
      %get3A_60 = vector.load %arg11[%get3A_58, %get3A_59] : memref<1024x1024xf32, #tpu.memory_space<vmem>>, vector<1024x1024xf32>
      %convert_element_type3A_61 = arith.truncf %get3A_60 : vector<1024x1024xf32> to vector<1024x1024xbf16>
      %dot_general3A_62 = arith.constant dense<0.000000e+00> : vector<256x1024xf32>
      %dot_general3A_63 = tpu.matmul %convert_element_type3A_57, %convert_element_type3A_61, %dot_general3A_62 {dimension_numbers = #tpu.dot_dimension_numbers<[1], [1], [0], [0], [0, 0, 1, 0], [], []>, transpose_lhs_hint = false} : vector<256x1024xbf16>, vector<1024x1024xbf16>, vector<256x1024xf32> -> vector<256x1024xf32>
      %get3A_64 = arith.constant 0 : index
      %get3A_65 = arith.constant 0 : index
      %get3A_66 = vector.load %arg8[%get3A_64, %get3A_65] : memref<256x8xf32, #tpu.memory_space<vmem>>, vector<256x8xf32>
      %iota3A = tpu.iota {dimensions = array<i32: 1>} : vector<256x6144xi32>
      %slice3A = vector.extract_strided_slice %get3A_66 {offsets = [0, 2], sizes = [256, 1], strides = [1, 1]} : vector<256x8xf32> to vector<256x1xf32>
      %convert_element_type3A_67 = arith.fptosi %slice3A : vector<256x1xf32> to vector<256x1xi32>
      %slice3A_68 = vector.extract_strided_slice %get3A_66 {offsets = [0, 3], sizes = [256, 1], strides = [1, 1]} : vector<256x8xf32> to vector<256x1xf32>
      %convert_element_type3A_69 = arith.fptosi %slice3A_68 : vector<256x1xf32> to vector<256x1xi32>
      %eq3A_70 = vector.broadcast %convert_element_type3A_67 : vector<256x1xi32> to vector<256x6144xi32>
      %eq3A_71 = arith.cmpi eq, %eq3A_70, %iota3A : vector<256x6144xi32>
      %slice3A_72 = vector.extract_strided_slice %get3A_66 {offsets = [0, 0], sizes = [256, 1], strides = [1, 1]} : vector<256x8xf32> to vector<256x1xf32>
      %jit3A = arith.constant 0.000000e+00 : f32
      %broadcast_in_dim3A = vector.shape_cast %slice3A_72 : vector<256x1xf32> to vector<256x1xf32>
      %broadcast_in_dim3A_73 = vector.broadcast %broadcast_in_dim3A : vector<256x1xf32> to vector<256x6144xf32>
      %broadcast_in_dim3A_74 = vector.broadcast %jit3A : f32 to vector<256x6144xf32>
      %select_n3A = arith.select %eq3A_71, %broadcast_in_dim3A_73, %broadcast_in_dim3A_74 : vector<256x6144xi1>, vector<256x6144xf32>
      %eq3A_75 = vector.broadcast %convert_element_type3A_69 : vector<256x1xi32> to vector<256x6144xi32>
      %eq3A_76 = arith.cmpi eq, %eq3A_75, %iota3A : vector<256x6144xi32>
      %slice3A_77 = vector.extract_strided_slice %get3A_66 {offsets = [0, 1], sizes = [256, 1], strides = [1, 1]} : vector<256x8xf32> to vector<256x1xf32>
      %jit3A_78 = arith.constant 0.000000e+00 : f32
      %broadcast_in_dim3A_79 = vector.shape_cast %slice3A_77 : vector<256x1xf32> to vector<256x1xf32>
      %broadcast_in_dim3A_80 = vector.broadcast %broadcast_in_dim3A_79 : vector<256x1xf32> to vector<256x6144xf32>
      %broadcast_in_dim3A_81 = vector.broadcast %jit3A_78 : f32 to vector<256x6144xf32>
      %select_n3A_82 = arith.select %eq3A_76, %broadcast_in_dim3A_80, %broadcast_in_dim3A_81 : vector<256x6144xi1>, vector<256x6144xf32>
      %add3A = arith.addf %select_n3A, %select_n3A_82 : vector<256x6144xf32>
      %convert_element_type3A_83 = arith.truncf %add3A : vector<256x6144xf32> to vector<256x6144xbf16>
      %get3A_84 = arith.constant 0 : index
      %get3A_85 = arith.constant 0 : index
      %get3A_86 = vector.load %arg13[%get3A_84, %get3A_85] : memref<6144x1024xbf16, #tpu.memory_space<vmem>>, vector<6144x1024xbf16>
      %dot_general3A_87 = arith.constant dense<0.000000e+00> : vector<256x1024xf32>
      %dot_general3A_88 = tpu.matmul %convert_element_type3A_83, %get3A_86, %dot_general3A_87 {dimension_numbers = #tpu.dot_dimension_numbers<[1], [0], [0], [1], [0, 0, 1, 1], [], []>, transpose_lhs_hint = false} : vector<256x6144xbf16>, vector<6144x1024xbf16>, vector<256x1024xf32> -> vector<256x1024xf32>
      %add3A_89 = arith.addf %dot_general3A_63, %dot_general3A_88 : vector<256x1024xf32>
      %swap3A = arith.constant 0 : index
      %swap3A_90 = arith.constant 0 : index
      %swap3A_91 = vector.load %arg12[%swap3A, %swap3A_90] : memref<256x1024xf32, #tpu.memory_space<vmem>>, vector<256x1024xf32>
      tpu.vector_store %arg12[%swap3A, %swap3A_90], %add3A_89 {strides = array<i32>} : memref<256x1024xf32, #tpu.memory_space<vmem>>, vector<256x1024xf32>,
    } else {
    }
    return
  }
  func.func @transform_0(%arg0: i32, %arg1: memref<32xi32, #tpu.memory_space<smem>>, %arg2: memref<32xi32, #tpu.memory_space<smem>>) -> (i32, i32, i32) {
    %min3A = arith.constant 23 : i32
    %min3A_0 = arith.minsi %arg0, %min3A : i32
    %c0_i32 = arith.constant 0 : i32
    %c0_i32_1 = arith.constant 0 : i32
    %c0_i32_2 = arith.constant 0 : i32
    return %min3A_0, %c0_i32, %c0_i32_1 : i32, i32, i32
  }
  func.func @transform_1(%arg0: i32, %arg1: memref<32xi32, #tpu.memory_space<smem>>, %arg2: memref<32xi32, #tpu.memory_space<smem>>) -> (i32, i32) {
    %c0_i32 = arith.constant 0 : i32
    %c0_i32_0 = arith.constant 0 : i32
    %c0_i32_1 = arith.constant 0 : i32
    return %c0_i32, %c0_i32_0 : i32, i32
  }
  func.func @transform_2(%arg0: i32, %arg1: memref<32xi32, #tpu.memory_space<smem>>, %arg2: memref<32xi32, #tpu.memory_space<smem>>) -> (i32, i32, i32) {
    %get3A = arith.index_cast %arg0 : i32 to index
    %get3A_0 = memref.load %arg1[%get3A] : memref<32xi32, #tpu.memory_space<smem>>
    %c0_i32 = arith.constant 0 : i32
    %c0_i32_1 = arith.constant 0 : i32
    %c0_i32_2 = arith.constant 0 : i32
    return %get3A_0, %c0_i32, %c0_i32_1 : i32, i32, i32
  }
  func.func @transform_3(%arg0: i32, %arg1: memref<32xi32, #tpu.memory_space<smem>>, %arg2: memref<32xi32, #tpu.memory_space<smem>>) -> (i32, i32, i32) {
    %get3A = arith.index_cast %arg0 : i32 to index
    %get3A_0 = memref.load %arg1[%get3A] : memref<32xi32, #tpu.memory_space<smem>>
    %c0_i32 = arith.constant 0 : i32
    %c0_i32_1 = arith.constant 0 : i32
    %c0_i32_2 = arith.constant 0 : i32
    return %get3A_0, %c0_i32, %c0_i32_1 : i32, i32, i32
  }
  func.func @transform_4(%arg0: i32, %arg1: memref<32xi32, #tpu.memory_space<smem>>, %arg2: memref<32xi32, #tpu.memory_space<smem>>) -> (i32, i32, i32) {
    %get3A = arith.index_cast %arg0 : i32 to index
    %get3A_0 = memref.load %arg1[%get3A] : memref<32xi32, #tpu.memory_space<smem>>
    %c0_i32 = arith.constant 0 : i32
    %c0_i32_1 = arith.constant 0 : i32
    %c0_i32_2 = arith.constant 0 : i32
    return %get3A_0, %c0_i32, %c0_i32_1 : i32, i32, i32
  }
  func.func @transform_5(%arg0: i32, %arg1: memref<32xi32, #tpu.memory_space<smem>>, %arg2: memref<32xi32, #tpu.memory_space<smem>>) -> (i32, i32) {
    %sub3A = arith.constant 24 : i32
    %sub3A_0 = arith.subi %arg0, %sub3A : i32
    %max3A = arith.constant 0 : i32
    %max3A_1 = arith.maxsi %sub3A_0, %max3A : i32
    %c0_i32 = arith.constant 0 : i32
    %c0_i32_2 = arith.constant 0 : i32
    return %max3A_1, %c0_i32 : i32, i32
  }
  func.func @transform_6(%arg0: i32, %arg1: memref<32xi32, #tpu.memory_space<smem>>, %arg2: memref<32xi32, #tpu.memory_space<smem>>) -> (i32, i32) {
    %c0_i32 = arith.constant 0 : i32
    %c0_i32_0 = arith.constant 0 : i32
    %c0_i32_1 = arith.constant 0 : i32
    return %c0_i32, %c0_i32_0 : i32, i32
  }
  func.func @transform_7(%arg0: i32, %arg1: memref<32xi32, #tpu.memory_space<smem>>, %arg2: memref<32xi32, #tpu.memory_space<smem>>) -> (i32, i32) {
    %c0_i32 = arith.constant 0 : i32
    %c0_i32_0 = arith.constant 0 : i32
    %c0_i32_1 = arith.constant 0 : i32
    return %c0_i32, %c0_i32_0 : i32, i32
  }
  func.func @transform_8(%arg0: i32, %arg1: memref<32xi32, #tpu.memory_space<smem>>, %arg2: memref<32xi32, #tpu.memory_space<smem>>) -> (i32, i32) {
    %c0_i32 = arith.constant 0 : i32
    %c0_i32_0 = arith.constant 0 : i32
    %c0_i32_1 = arith.constant 0 : i32
    return %c0_i32, %c0_i32_0 : i32, i32
  }
  func.func @transform_9(%arg0: i32, %arg1: memref<32xi32, #tpu.memory_space<smem>>, %arg2: memref<32xi32, #tpu.memory_space<smem>>) -> (i32, i32) {
    %sub3A = arith.constant 24 : i32
    %sub3A_0 = arith.subi %arg0, %sub3A : i32
    %max3A = arith.constant 0 : i32
    %max3A_1 = arith.maxsi %sub3A_0, %max3A : i32
    %c0_i32 = arith.constant 0 : i32
    %c0_i32_2 = arith.constant 0 : i32
    return %max3A_1, %c0_i32 : i32, i32
  }
}

</mosaic_0001>

<sc_bundles>
// kernel: kernel.5.cloned.1.call-start
scs
__scs_entry_jumppad:
0x0: {  	(pc) =	sbr.rel $0x88, $3  }
0x1: {  	(tag) =	ssettag $0x0;
	lr =	simm.s32 $0x1  }
0x2: {  	[smem:$0x3F97] =	sst lr;
	_ =	strace $0xD0000000  }
0x3: {  	_ = 	snop  }
0x4: {  	_ = 	snop  }
0x5: {  	_ = 	snop  }
0x6: {  	_ = 	snop  }
0x7: {  	_ = 	snop  }
__scs_overlays_trampoline_lowered:
0x8: {  	[smem:$0x3FA6] =	sst s0  }
0x9: {  	[smem:$0x3FA7] =	sst s1  }
0xa: {  	[smem:$0x3FA8] =	sst s2  }
0xb: {  	[smem:$0x3FA9] =	sst s3  }
0xc: {  	[smem:$0x3FAA] =	sst s4  }
0xd: {  	[smem:$0x3FAB] =	sst s5  }
0xe: {  	[smem:$0x3FAC] =	sst s6  }
0xf: {  	[smem:$0x3FAD] =	sst s7  }
0x10: {  	[smem:$0x3FAE] =	sst s8  }
0x11: {  	[smem:$0x3FAF] =	sst s9;
	s0 =	simm.s32 @!p0 $0x0  }
0x12: {  	s1 =	sld [smem:$0x3F95];
	s0 =	simm.s32 @p0 $0x1  }
0x13: {  	[smem:$0x3FB0] =	sst s0;
	s0 =	simm.s32 @!p1 $0x0  }
0x14: {  	s2 =	sld [smem:$0x3F94];
	s0 =	simm.s32 @p1 $0x1  }
0x15: {  	[smem:$0x3FB1] =	sst s0;
	s0 =	simm.s32 @!p2 $0x0  }
0x16: {  	s3 =	sld [smem:$0x3FDB];
	s0 =	simm.s32 @p2 $0x1  }
0x17: {  	s4 =	simm.s32 $0x1BF5;
	[smem:$0x3FB3] =	sst s0  }
0x18: {  	s0 =	sld [smem:$0x3F96];
	_ =	swait.ge [sflag:s4], $0x0  }
0x19: {  	s7 =	sld [smem:$0x3F97]  }
0x1a: {  	s8 =	sadd.s32 $0xFFFFE003, lr  }
0x1b: {  	s9 =	sadd.s32 $0xFFFFFEF7, lr;
	s5 =	simm.s32 $0xFFFFFFFF;
	p2 =	slt.u32 s8, $0xFFFFF086  }
0x1c: {  	p1 =	slt.u32 s9, $0xF7A;
	s5 =	simm.s32 @!p2 $0x0  }
0x1d: {  	s5 =	simm.s32 @p1 $0x1;
	p0 =	seq.s32 s7, s2  }
0x1e: {  	s7 =	smul.u32 @!p0 $0xF7A, s2;
	p2 =	seq.s32 @!p0 s5, $0x0  }
0x1f: {  	s9 =	smul.u32 $0xF7A, s1;
	s8 =	simm.s32 @!p0 $0x1BF5;
	p2 =	por !p2, p0  }
0x20: {  	[sflag:s8] =	ssyncset.s32 @!p0 $0xFFFFF086;
	s6 =	sadd.s32 @!p0 s3, s7;
	s7 =	simm.s32 @!p0 $0x108  }
0x21: {  	s3 =	sadd.s32 s3, s9;
	s6 =	sadd.s32 @!p0 $0x88, s6;
	s7 =	simm.s32 @p2 $0x1082  }
0x22: {  	[simem:s7], [sflag:s8] =	dma.local @!p0 [hbm:s6], $0xF7A  }
0x23: {  	s9 =	sor.u32 $0xD0000000, s2;
	s6 =	simm.s32 $0x108;
	_ =	swait.ge @!p0 [sflag:s8], $0x0  }
0x24: {  	s3 =	sadd.s32 $0x88, s3;
	s6 =	simm.s32 @!p1 $0x1082;
	[sflag:s4] =	ssyncset.s32 $0xFFFFF086  }
0x25: {  	[simem:s6], [sflag:s4] =	dma.local [hbm:s3], $0xF7A  }
0x26: {  	[smem:$0x3F97] =	sst s1;
	(tag) =	ssettag s2;
	_ =	strace s9  }
0x27: {  	s1 =	sld [smem:$0x3FA7]  }
0x28: {  	s2 =	sld [smem:$0x3FA8]  }
0x29: {  	s4 =	sld [smem:$0x3FAA]  }
0x2a: {  	p0 =	seq.s32 s5, $0x0;
	s5 =	sld [smem:$0x3FAB]  }
0x2b: {  	s6 =	sld [smem:$0x3FAC]  }
0x2c: {  	s7 =	sld [smem:$0x3FAD]  }
0x2d: {  	s3 =	simm.s32 $0x108;
	s8 =	sld [smem:$0x3FAE]  }
0x2e: {  	s3 =	simm.s32 @!p0 $0x1082;
	s9 =	sld [smem:$0x3FAF]  }
0x2f: {  	lr =	sadd.s32 s0, s3;
	s0 =	sld [smem:$0x3FA6]  }
0x30: {  	s3 =	sld [smem:$0x3FA9]  }
0x31: {  	[smem:$0x3FB2] =	sst s10  }
0x32: {  	s10 =	sld [smem:$0x3FB0];
	_ =	sdelay $0x3  }
0x33: {  	p0 =	seq.s32 s10, $0x1;
	s10 =	sld [smem:$0x3FB2];
	_ =	sdelay $0x3  }
0x34: {  	[smem:$0x3FB2] =	sst s10  }
0x35: {  	s10 =	sld [smem:$0x3FB1];
	_ =	sdelay $0x3  }
0x36: {  	p1 =	seq.s32 s10, $0x1;
	s10 =	sld [smem:$0x3FB2];
	_ =	sdelay $0x3  }
0x37: {  	[smem:$0x3FB2] =	sst s10  }
0x38: {  	s10 =	sld [smem:$0x3FB3]  }
0x39: {  	_ = 	snop;
	(pc) =	sbr.ind lr, $3  }
0x3a: {  	_ = 	snop  }
0x3b: {  	_ = 	snop  }
0x3c: {  	p2 =	seq.s32 s10, $0x1;
	s10 =	sld [smem:$0x3FB2]  }
0x3d: {  	_ =	shalt  }
0x3e: {  	_ =	shalt  }
0x3f: {  	_ =	shalt  }
0x40: {  	_ =	shalt  }
0x41: {  	_ =	shalt  }
0x42: {  	_ =	shalt  }
0x43: {  	_ =	shalt  }
0x44: {  	_ =	shalt  }
0x45: {  	_ =	shalt  }
0x46: {  	_ =	shalt  }
0x47: {  	_ =	shalt  }
0x48: {  	_ =	shalt  }
0x49: {  	_ =	shalt  }
0x4a: {  	_ =	shalt  }
0x4b: {  	_ =	shalt  }
0x4c: {  	_ =	shalt  }
0x4d: {  	_ =	shalt  }
0x4e: {  	_ =	shalt  }
0x4f: {  	_ =	shalt  }
0x50: {  	_ =	shalt  }
0x51: {  	_ =	shalt  }
0x52: {  	_ =	shalt  }
0x53: {  	_ =	shalt  }
0x54: {  	_ =	shalt  }
0x55: {  	_ =	shalt  }
0x56: {  	_ =	shalt  }
0x57: {  	_ =	shalt  }
0x58: {  	_ =	shalt  }
0x59: {  	_ =	shalt  }
0x5a: {  	_ =	shalt  }
0x5b: {  	_ =	shalt  }
0x5c: {  	_ =	shalt  }
0x5d: {  	_ =	shalt  }
0x5e: {  	_ =	shalt  }
0x5f: {  	_ =	shalt  }
0x60: {  	_ =	shalt  }
0x61: {  	_ =	shalt  }
0x62: {  	_ =	shalt  }
0x63: {  	_ =	shalt  }
0x64: {  	_ =	shalt  }
0x65: {  	_ =	shalt  }
0x66: {  	_ =	shalt  }
0x67: {  	_ =	shalt  }
0x68: {  	_ =	shalt  }
0x69: {  	_ =	shalt  }
0x6a: {  	_ =	shalt  }
0x6b: {  	_ =	shalt  }
0x6c: {  	_ =	shalt  }
0x6d: {  	_ =	shalt  }
0x6e: {  	_ =	shalt  }
0x6f: {  	_ =	shalt  }
0x70: {  	_ =	shalt  }
0x71: {  	_ =	shalt  }
0x72: {  	_ =	shalt  }
0x73: {  	_ =	shalt  }
0x74: {  	_ =	shalt  }
0x75: {  	_ =	shalt  }
0x76: {  	_ =	shalt  }
0x77: {  	_ =	shalt  }
0x78: {  	_ =	shalt  }
0x79: {  	_ =	shalt  }
0x7a: {  	_ =	shalt  }
0x7b: {  	_ =	shalt  }
0x7c: {  	_ =	shalt  }
0x7d: {  	_ =	shalt  }
0x7e: {  	_ =	shalt  }
0x7f: {  	_ =	shalt  }
0x80: {  	_ =	shalt  }
0x81: {  	_ =	shalt  }
0x82: {  	_ =	shalt  }
0x83: {  	_ =	shalt  }
0x84: {  	_ =	shalt  }
0x85: {  	_ =	shalt  }
0x86: {  	_ =	shalt  }
0x87: {  	_ =	shalt  }
.Lfunc_end0:
.L_simem_size_0:
called_computation_lowered:
.L_overlay_start_0:
0x88: {  	s2 =	sld [smem:$0x3FD9]  }
0x89: {  	s3 =	sld [smem:$0x3FFE];
	_ =	sdelay $0x1  }
0x8a: {  	s1 =	srdreg.scid  }
0x8b: {  	s0 =	sand.u32 $0x1, s1  }
0x8c: {  	s14 =	sshll.u32 s0, $0xA;
	s2 =	sadd.s32 s3, s2  }
0x8d: {  	s2 =	sadd.s32 s2, s14  }
0x8e: {  	[smem:$0x3FBE] =	sst s2  }
0x8f: {  	_ = 	snop  }
0x90: {  	s2 =	sld [smem:$0x3FD0];
	_ =	sdelay $0x2  }
0x91: {  	s15 =	simm.s32 $0xA;
	s4 =	simm.s32 $0x10  }
0x92: {  	[smem:s4], [sflag:s15] =	dma.local [hbm:s2], $0x1  }
0x93: {  	_ =	swait.eq [sflag:s15], $0x1  }
0x94: {  	[sflag:s15] =	ssyncset.done $0x0  }
0x95: {  	[sflag:s15] =	ssyncadd.s32 $0xFFFFFFFF  }
0x96: {  	s16 =	sld [smem:$0x10];
	(tm) =	ssettm $0x1  }
0x97: {  	s17 =	sld [smem:$0x3FFB];
	_ =	sdelay $0x3  }
0x98: {  	_ =	strace s17  }
0x99: {  	s3 =	sld [smem:$0x3FFC];
	_ =	sdelay $0x3  }
0x9a: {  	_ =	strace s3  }
0x9b: {  	s3 =	sld [smem:$0x3FFD];
	_ =	sdelay $0x3  }
0x9c: {  	_ =	strace s3  }
0x9d: {  	_ =	strace $0x8FFFFFFF  }
0x9e: {  	s18 =	sld [smem:$0x3FDB];
	_ =	sdelay $0x1  }
0x9f: {  	s19 =	simm.s32 $_scs_section_size  }
0xa0: {  	s5 =	simm.s32 $_size__tile_overlayer_lowered;
	s6 =	simm.s32 $_tile_overlayer_lowered  }
0xa1: {  	s22 =	simm.s32 $0x1BFF;
	s21 =	sshll.u32 s6, $0x1;
	s3 =	sadd.s32 s19, s18  }
0xa2: {  	s7 =	simm.s32 $0x0;
	s20 =	sshll.u32 s5, $0x1;
	s5 =	sadd.s32 s21, s3  }
0xa3: {  	[timem:s7], [sflag:s22] =	dma.local [hbm:s5], s20  }
0xa4: {  	_ =	swait.ge [sflag:s22], s20  }
0xa5: {  	s4 =	ssub.s32 $0x0, s20;
	[sflag:s22] =	ssyncset.done $0x0  }
0xa6: {  	[sflag:s22] =	ssyncadd.s32 s4;
	_ =	sdelay $0x1  }
0xa7: {  	s23 =	simm.s32 $0x1B8B  }
0xa8: {  	_ =	swait.ge [sflag:s23], $0x1  }
0xa9: {  	[sflag:s23] =	ssyncset.done $0x0  }
0xaa: {  	s25 =	simm.s32 $0x1B8E;
	s24 =	sld [smem:$0x3FFE];
	[sflag:s23] =	ssyncadd.s32 $0xFFFFFFFF  }
0xab: {  	s26 =	simm.s32 $execute0_lowered;
	[smem:$0x3FD2] =	sst s25  }
0xac: {  	s5 =	sshll.u32 s26, $0x1;
	_ =	strace $0x80000046;
	[dreg:$0x1] =	wrdreg $0xFFFFFFFF  }
0xad: {  	s28 =	simm.s32 $_size_execute0_lowered;
	s3 =	sadd.s32 s3, s5;
	[dreg:$0x0] =	wrdreg $0x0  }
0xae: {  	s5 =	sshll.u32 s28, $0x1;
	[dreg:$0x2] =	wrdreg s3  }
0xaf: {  	[dreg:$0x3] =	wrdreg s5  }
0xb0: {  	[dreg:$0x4] =	wrdreg $0xC0  }
0xb1: {  	_ =	task [dreg:s7], $0x5FFFF  }
0xb2: {  	[dreg:$0x1] =	wrdreg $0xFFFFFFFF  }
0xb3: {  	[dreg:$0x0] =	wrdreg $0x60  }
0xb4: {  	[dreg:$0x2] =	wrdreg s16  }
0xb5: {  	[dreg:$0x3] =	wrdreg s24  }
0xb6: {  	[dreg:$0x4] =	wrdreg $0x9  }
0xb7: {  	_ =	task.clear_ibuf [dreg:s7], $0x5FFFF;
	_ =	strace $0x90000046  }
0xb8: {  	s29 =	simm.s32 $0x9;
	_ =	strace $0x80000048  }
0xb9: {  	_ =	swait.ge [sflag:s29], $0x1  }
0xba: {  	[sflag:s29] =	ssyncadd.s32 $0xFFFFFFFF  }
0xbb: {  	_ =	strace $0x90000048  }
0xbc: {  	_ =	sfence  }
0xbd: {  	s30 =	sld [smem:$0x0];
	_ =	sdelay $0x2  }
0xbe: {  	s31 =	sshll.u32 s1, $0xD;
	s1 =	sshrl.u32 s1, $0x2  }
0xbf: {  	s3 =	sand.u32 $0x4000, s31;
	s1 =	sadd.s32 s1, s30  }
0xc0: {  	s0 =	sor.u32 s3, s0;
	s1 =	sshll.u32 s1, $0x11  }
0xc1: {  	s0 =	sor.u32 s1, s0  }
0xc2: {  	s0 =	sadd.s32 $0x8F2B, s0  }
0xc3: {  	[sflag:s0] =	ssyncadd.remote.s32 $0x1  }
0xc4: {  	_ =	sfence.sel $0xFFFF  }
0xc5: {  	[dreg:$0x0] =	wrdreg $0xFFFFFFFF;
	(pc) =	sbr.abs _section_cstart, $3  }
0xc6: {  	[dreg:$0x1] =	wrdreg $0xFFFFFFFF  }
0xc7: {  	_ =	task.clear_ibuf [dreg:s7], $0x2FFFF;
	_ =	strace $0x9FFFFFFF  }
0xc8: {  	(tm) =	ssettm $0x7FFFFFFF  }
0xc9: {  	_ =	shalt  }
tec
execute0_lowered:
.L_overlay_start_1:
0x0: {  	(tag) =	ssettag $0x1  }
0x1: {  	s0 =	srdreg.scid  }
0x2: {  	s4 =	sand.u32 $0x1, s0;
	s0 =	stileid.u32  }
0x3: {  	s5 =	sshll.u32 s0, $0x1;
	s6 =	ssub.s32 $0x0, s4  }
0x4: {  	p0 =	sne.s32 s5, s6  }
.Ltmp0:
0x5: {  	_ = 	snop;
	(pc) =	sbr.rel @p0 .LBB2_7-.Ltmp0, $4  }
0x6: {  	_ = 	snop  }
0x7: {  	s2 =	rddreg [dreg:$0x0]  }
0x8: {  	s3 =	rddreg [dreg:$0x1]  }
0x9: {  	s1 =	rddreg [dreg:$0x2];
	_ =	strace $0x80000047  }
0xa: {  	s4 =	ssub.s32 $0x2, s4  }
0xb: {  	s3 =	sadd.s32 $0x28000, s3;
	s5 =	sshrl.u32 s4, $0x1  }
0xc: {  	s6 =	simm.s32 $0x1;
	s7 =	simm.s32 $0x1000;
	s4 =	ssub.s32 s4, s5  }
0xd: {  	v0 =	vimm.s32 $0x0;
	v1 =	vlaneseq.u32;
	s8 =	simm.s32 $0x0;
	s5 =	simm.s32 $0x0;
	s4 =	smax.u32 s4, $0x1  }
.LBB2_2:
0xe: {  	[tilespmem:s5], [sflag:$0x1] =	stream.linear.gather [hbm4b:s2+s5], $0x1000, $0x38;
	[tilespmem:$0x2800] =	vst v63  }
0xf: {  	_ =	swait.ge [sflag:s6], $0x1000  }
0x10: {  	[sflag:s6] =	ssyncset.done $0x0  }
0x11: {  	s9 =	simm.s32 $0x0;
	[sflag:s6] =	ssyncadd.s32 $0xFFFFF000  }
.LBB2_3:
0x12: {  	p0 =	sne.s32 s9, $0x5FC0  }
.Ltmp1:
0x13: {  	_ = 	snop;
	(pc) =	sbr.rel @p0 .LBB2_3-.Ltmp1, $3  }
0x14: {  	_ =	sdelay $0x1  }
0x15: {  	s10 =	sshra.s32 s9, $0x2  }
0x16: {  	s9 =	sadd.s32 $0x40, s9;
	[tilespmem:s10+$0x1000] =	vst v0  }
0x17: {  	s9 =	simm.s32 $0x0  }
0x18: {  	s10 =	simm.s32 $0x10;
	s11 =	simm.s32 $0x0;
	v2 =	vld [tilespmem:s9+$0x0]  }
.LBB2_5:
0x19: {  	p0 =	sne.s32 s10, $0xFF0;
	_ =	sdelay $0x3  }
0x1a: {  	vm0 =	vgt.s32 v2, $0xFFFFFFFF;
	vm1 =	vgt.s32 v2, $0x0  }
0x1b: {  	v2 =	vnsel vm1, $0x0, v2;
	_ =	sdelay $0x1  }
.Ltmp2:
0x1c: {  	(pc) =	sbr.rel @p0 .LBB2_5-.Ltmp2, $4  }
0x1d: {  	s12 =	sand.u32 $0x7F0, s9;
	s9 =	smov.u32 s10  }
0x1e: {  	v3 =	vor.u32 s12, v1  }
0x1f: {  	s11 =	sadd.s32 $0x10, s11;
	[tilespmem:v2+s7+$0x0] =	vst.idx.msk vm0, v3  }
0x20: {  	s10 =	sadd.s32 $0x10, s10;
	v2 =	vld [tilespmem:s11+$0x0]  }
0x21: {  	_ =	sdelay $0x3  }
0x22: {  	vm0 =	vgt.s32 v2, $0xFFFFFFFF;
	vm1 =	vgt.s32 v2, $0x0  }
0x23: {  	v2 =	vnsel vm1, $0x0, v2;
	_ =	sdelay $0x2  }
0x24: {  	s9 =	sand.u32 $0x7F0, s9;
	s8 =	sadd.s32 $0x1, s8  }
0x25: {  	v3 =	vor.u32 s9, v1;
	p0 =	sne.s32 s8, s4  }
.Ltmp3:
0x26: {  	[tilespmem:v2+s7+$0x0] =	vst.idx.msk vm0, v3;
	(pc) =	sbr.rel @p0 .LBB2_2-.Ltmp3, $4  }
0x27: {  	[hbm4b:s3+s5] =	stream.linear.scatter [tilespmem:s7], [sflag:$0x1], $0x1800, $0x38;
	[tilespmem:$0x2800] =	vst v63  }
0x28: {  	_ =	swait.ge [sflag:s6], $0x1800  }
0x29: {  	[sflag:s6] =	ssyncset.done $0x0  }
0x2a: {  	[sflag:s6] =	ssyncadd.s32 $0xFFFFE800  }
.LBB2_7:
0x2b: {  	_ =	sfence.sel $0x180000  }
0x2c: {  	[bflag:$0x0] =	sbarrier.arrive $0xFFFF  }
0x2d: {  	p0 =	sne.s32 s0, $0x0;
	_ =	strace $0x90000047  }
0x2e: {  	s0 =	sadd.s32 @!p0 $0x100000, s1;
	[bflag:$0x2] =	sbarrier.arrive $0xFFFF  }
0x2f: {  	[sflag:s0] =	ssyncadd.tile.s32 @!p0 $0x1;
	_ =	shalt  }
.Lfunc_end2:
_tile_overlayer_lowered:
.L_overlay_start_2:
0x30: {  	(tag) =	ssettag $0x2  }
0x31: {  	s0 =	rddreg [dreg:$0x0];
	s2 =	stileid.u32  }
0x32: {  	s1 =	rddreg [dreg:$0x1];
	p0 =	sne.s32 s2, $0x0  }
0x33: {  	s3 =	rddreg [dreg:$0x2];
	[bflag:$0x3] =	sbarrier.arrive $0xFFFF;
	s2 =	simm.s32 @!p0 $0x1C01  }
0x34: {  	[timem:s3], [sflag:s2] =	dma.local @!p0 [hbm:s0], s1  }
0x35: {  	s0 =	simm.s32 @!p0 $0x1  }
0x36: {  	_ =	swait.ge @!p0 [sflag:s0], s1  }
0x37: {  	s1 =	ssub.s32 @!p0 $0x0, s1;
	[sflag:s0] =	ssyncset.done @!p0 $0x0  }
0x38: {  	[sflag:s0] =	ssyncadd.s32 @!p0 s1  }
0x39: {  	[bflag:$0x3] =	sbarrier.arrive $0xFFFF  }
0x3a: {  	_ =	shalt  }

</sc_bundles>
